<compile_context>
chip_gen: v7x
topology: tpu7x:2x2x1
jax: 0.10.2.dev20260603
libtpu: 0.0.44.dev20260713+nightly
codegen_flags: <defaults>
</compile_context>

<pallas_src>
import functools

import jax
import jax.numpy as jnp
from jax import lax
from jax.experimental import pallas as pl
from jax.experimental.pallas import tpu as pltpu
from jax.experimental.pallas import tpu_sc as plsc

VOCAB = 100000
EMB = 128
CTX = 10
BATCH = 4096

NC = 2
NS = 16
LANES = 16
NW = NC * NS
B_PER_W = BATCH // NW
CHUNK = 64
NCH = B_PER_W // CHUNK
IDX_PER_CHUNK = CHUNK * CTX
NGATHER = IDX_PER_CHUNK // 128

BR = 512
VT = 4096
RB = BATCH // BR
VB = -(-VOCAB // VT)


def _sc_gather_mean(x1, emb_table):
    mesh = plsc.VectorSubcoreMesh(core_axis_name="c", subcore_axis_name="s")

    @functools.partial(
        pl.kernel,
        mesh=mesh,
        out_type=jax.ShapeDtypeStruct((BATCH, EMB), jnp.float32),
        scratch_types=[
            pltpu.VMEM((IDX_PER_CHUNK,), jnp.int32),
            pltpu.VMEM((IDX_PER_CHUNK, EMB), jnp.float32),
            pltpu.VMEM((CHUNK, EMB), jnp.float32),
            pltpu.SemaphoreType.DMA,
        ],
    )
    def k(x1_hbm, table_hbm, h_hbm, idx_v, rows_v, h_v, sem):
        wid = lax.axis_index("s") * NC + lax.axis_index("c")
        for ch in range(NCH):
            base = wid * (NCH * IDX_PER_CHUNK) + ch * IDX_PER_CHUNK
            pltpu.sync_copy(x1_hbm.at[pl.ds(base, IDX_PER_CHUNK)], idx_v)
            handles = []
            for j in range(NGATHER):
                handles.append(
                    pltpu.async_copy(
                        table_hbm.at[idx_v.at[pl.ds(j * 128, 128)]],
                        rows_v.at[pl.ds(j * 128, 128)],
                        sem,
                    )
                )
            for h in handles:
                h.wait()

            def body(b, _):
                t0 = b * CTX
                for j in range(EMB // LANES):
                    sl = pl.ds(j * LANES, LANES)
                    acc = rows_v[t0, sl]
                    for c in range(1, CTX):
                        acc = acc + rows_v[t0 + c, sl]
                    h_v[b, sl] = acc * (1.0 / CTX)
                return _

            lax.fori_loop(0, CHUNK, body, None)
            pltpu.sync_copy(
                h_v, h_hbm.at[pl.ds(wid * B_PER_W + ch * CHUNK, CHUNK)]
            )

    return k(x1, emb_table)


def _pass1_body(h_ref, w_ref, b_ref, m_out, l_out, m_s, l_s):
    vb = pl.program_id(0)
    rb = pl.program_id(1)
    rows = pl.ds(rb * BR, BR)

    @pl.when(vb == 0)
    def _():
        m_s[rows, :] = jnp.full((BR, 1), -jnp.inf, jnp.float32)
        l_s[rows, :] = jnp.zeros((BR, 1), jnp.float32)

    s = jnp.dot(h_ref[...], w_ref[...], preferred_element_type=jnp.float32)
    s = s + b_ref[...]
    col = vb * VT + lax.broadcasted_iota(jnp.int32, (BR, VT), 1)
    valid = col < VOCAB
    s = jnp.where(valid, s, -jnp.inf)
    tile_max = jnp.max(s, axis=1, keepdims=True)
    m_new = jnp.maximum(m_s[rows, :], tile_max)
    e = jnp.where(valid, jnp.exp(s - m_new), 0.0)
    l_s[rows, :] = l_s[rows, :] * jnp.exp(m_s[rows, :] - m_new) + jnp.sum(
        e, axis=1, keepdims=True
    )
    m_s[rows, :] = m_new

    @pl.when(vb == VB - 1)
    def _():
        m_out[...] = m_s[rows, :]
        l_out[...] = l_s[rows, :]


def _pass2_body(h_ref, w_ref, b_ref, m_ref, l_ref, out_ref):
    vb = pl.program_id(0)
    s = jnp.dot(h_ref[...], w_ref[...], preferred_element_type=jnp.float32)
    s = s + b_ref[...]
    col = vb * VT + lax.broadcasted_iota(jnp.int32, (BR, VT), 1)
    valid = col < VOCAB
    p = jnp.exp(s - m_ref[...]) * (1.0 / l_ref[...])
    out_ref[...] = jnp.where(valid, p, 0.0)


def kernel(x, emb_table, W, b):
    x1 = x.astype(jnp.int32).reshape(BATCH * CTX)
    h = _sc_gather_mean(x1, emb_table)
    h_bf = h.astype(jnp.bfloat16)
    w_bf = W.astype(jnp.bfloat16)

    b2 = b.reshape(1, VOCAB)
    grid = (VB, RB)
    h_spec = pl.BlockSpec((BR, EMB), lambda vb, rb: (rb, 0))
    w_spec = pl.BlockSpec((EMB, VT), lambda vb, rb: (0, vb))
    b_spec = pl.BlockSpec((1, VT), lambda vb, rb: (0, vb))
    ml_spec = pl.BlockSpec((BR, 1), lambda vb, rb: (rb, 0))

    m, l = pl.pallas_call(
        _pass1_body,
        grid=grid,
        in_specs=[h_spec, w_spec, b_spec],
        out_specs=[ml_spec, ml_spec],
        out_shape=[
            jax.ShapeDtypeStruct((BATCH, 1), jnp.float32),
            jax.ShapeDtypeStruct((BATCH, 1), jnp.float32),
        ],
        scratch_shapes=[
            pltpu.VMEM((BATCH, 1), jnp.float32),
            pltpu.VMEM((BATCH, 1), jnp.float32),
        ],
        compiler_params=pltpu.CompilerParams(
            dimension_semantics=("arbitrary", "arbitrary"),
        ),
    )(h_bf, w_bf, b2)

    probs = pl.pallas_call(
        _pass2_body,
        grid=grid,
        in_specs=[h_spec, w_spec, b_spec, ml_spec, ml_spec],
        out_specs=pl.BlockSpec((BR, VT), lambda vb, rb: (rb, vb)),
        out_shape=jax.ShapeDtypeStruct((BATCH, VOCAB), jnp.float32),
        compiler_params=pltpu.CompilerParams(
            dimension_semantics=("arbitrary", "arbitrary"),
        ),
    )(h_bf, w_bf, b2, m, l)
    return probs

# --- scband reference (transcript-rebuilt; emitter-appended) ---
"""Pipeline reference for scband-cbowmodel-15796889715289 (READ-ONLY COPY).

The authoritative reference and input builder live on the scoring server;
editing this copy changes nothing except your own understanding.
"""

import jax, jax.numpy as jnp
import numpy as np

VOCAB = 100000
EMB = 128
WINDOW = 5
BATCH = 4096
CTX = WINDOW * 2


def setup_inputs(seed: int = 0) -> dict:
    key = jax.random.key(seed)
    k_idx, k_emb, k_w, k_b = jax.random.split(key, 4)
    x = jax.random.randint(k_idx, (BATCH, CTX), 0, VOCAB, dtype=jnp.int64 if jax.config.jax_enable_x64 else jnp.int32)
    # glorot uniform for embedding table: limit = sqrt(6/(fan_in+fan_out))
    lim_e = np.sqrt(6.0 / (VOCAB + EMB))
    emb_table = jax.random.uniform(k_emb, (VOCAB, EMB), minval=-lim_e, maxval=lim_e, dtype=jnp.float32)
    lim_w = np.sqrt(6.0 / (EMB + VOCAB))
    W = jax.random.uniform(k_w, (EMB, VOCAB), minval=-lim_w, maxval=lim_w, dtype=jnp.float32)
    b = jnp.zeros((VOCAB,), dtype=jnp.float32)
    return {"x": x, "emb_table": emb_table, "W": W, "b": b}


def reference(x, emb_table, W, b):
    # Embedding lookup: [B, CTX] -> [B, CTX, EMB]
    e = jnp.take(emb_table, x, axis=0)
    # Mean over context window
    h = jnp.mean(e, axis=1)
    # Dense projection to vocab with softmax activation
    logits = h @ W + b
    probs = jax.nn.softmax(logits, axis=-1)
    return probs

if __name__ == "__main__":
    import jax
    _d = setup_inputs()
    print(jax.jit(kernel)(*tuple(_d.values())))

</pallas_src>

<mosaic_0001>
#map = affine_map<(d0, d1) -> (0)>
#map1 = affine_map<(d0, d1) -> (0, 0)>
module attributes {stable_mosaic.version = 14 : i64} {
  func.func @k(%arg0: i32, %arg1: i32, %arg2: memref<40960xi32, #tpu.memory_space<hbm>>, %arg3: memref<100000x128xf32, #tpu.memory_space<hbm>>, %arg4: memref<4096x128xf32, #tpu.memory_space<hbm>>, %arg5: memref<640xi32, #tpu.memory_space<vmem>>, %arg6: memref<640x128xf32, #tpu.memory_space<vmem>>, %arg7: memref<64x128xf32, #tpu.memory_space<vmem>>, %arg8: memref<!tpu.dma_semaphore, #tpu.memory_space<semaphore_mem>>) attributes {dimension_semantics = [#tpu.dimension_semantics<core_parallel>, #tpu.dimension_semantics<subcore_parallel>], iteration_bounds = array<i64: 2, 16>, scalar_prefetch = 0 : i64, scratch_operands = 4 : i64, tpu.core_type = #tpu.core_type<sc_vector_subcore>, window_params = [{transform_indices = #map}, {transform_indices = #map1}, {transform_indices = #map1}]} {
    %mul3A = arith.constant 2 : i32
    %mul3A_0 = arith.muli %arg1, %mul3A : i32
    %add3A = arith.addi %mul3A_0, %arg0 : i32
    %mul3A_1 = arith.constant 1280 : i32
    %mul3A_2 = arith.muli %add3A, %mul3A_1 : i32
    %add3A_3 = arith.constant 0 : i32
    %add3A_4 = arith.addi %mul3A_2, %add3A_3 : i32
    "tpu.region"() ({
      %run_scoped3A = tpu.sem_alloc : memref<!tpu.dma_semaphore, #tpu.memory_space<semaphore_mem>>
      %dma_start3A_184 = tpu.memref_slice %arg2[%add3A_4] : memref<40960xi32, #tpu.memory_space<hbm>> -> memref<640xi32, #tpu.memory_space<hbm>>
      %dma_start3A_185 = tpu.memref_slice %arg2[%add3A_4] : memref<40960xi32, #tpu.memory_space<hbm>> -> memref<640xi32, #tpu.memory_space<hbm>>
      tpu.enqueue_dma source(%dma_start3A_185 : memref<640xi32, #tpu.memory_space<hbm>>) target(%arg5 : memref<640xi32, #tpu.memory_space<vmem>>) target_semaphore(%run_scoped3A : memref<!tpu.dma_semaphore, #tpu.memory_space<semaphore_mem>>)
      %dma_wait3A_186 = tpu.memref_slice %arg2[%add3A_4] : memref<40960xi32, #tpu.memory_space<hbm>> -> memref<640xi32, #tpu.memory_space<hbm>>
      %dma_wait3A_187 = tpu.memref_slice %arg2[%add3A_4] : memref<40960xi32, #tpu.memory_space<hbm>> -> memref<640xi32, #tpu.memory_space<hbm>>
      tpu.wait_dma2 semaphore(%run_scoped3A : memref<!tpu.dma_semaphore, #tpu.memory_space<semaphore_mem>>) src(%dma_wait3A_187 : memref<640xi32, #tpu.memory_space<hbm>>) dst(%arg5 : memref<640xi32, #tpu.memory_space<vmem>>)
      tpu.yield
    }) : () -> ()
    %dma_start3A = arith.constant 0 : i32
    %dma_start3A_5 = arith.constant 0 : i32
    %dma_start3A_6 = tpu.memref_slice %arg6[%dma_start3A, %dma_start3A_5] : memref<640x128xf32, #tpu.memory_space<vmem>> -> memref<128x128xf32, #tpu.memory_space<vmem>>
    %dma_start3A_7 = arith.constant 0 : i32
    %dma_start3A_8 = tpu.memref_slice %arg5[%dma_start3A_7] : memref<640xi32, #tpu.memory_space<vmem>> -> memref<128xi32, #tpu.memory_space<vmem>>
    %dma_start3A_9 = arith.constant 0 : i32
    %dma_start3A_10 = arith.constant 0 : i32
    %dma_start3A_11 = tpu.memref_slice %arg3[%dma_start3A_9, %dma_start3A_10] : memref<100000x128xf32, #tpu.memory_space<hbm>> -> memref<100000x128xf32, #tpu.memory_space<hbm>>
    tpu.enqueue_indirect_dma source(%dma_start3A_11 : memref<100000x128xf32, #tpu.memory_space<hbm>>) target(%dma_start3A_6 : memref<128x128xf32, #tpu.memory_space<vmem>>) offsets(%dma_start3A_8 : memref<128xi32, #tpu.memory_space<vmem>>) semaphore(%arg8 : memref<!tpu.dma_semaphore, #tpu.memory_space<semaphore_mem>>)
    %dma_start3A_12 = arith.constant 128 : i32
    %dma_start3A_13 = arith.constant 0 : i32
    %dma_start3A_14 = tpu.memref_slice %arg6[%dma_start3A_12, %dma_start3A_13] : memref<640x128xf32, #tpu.memory_space<vmem>> -> memref<128x128xf32, #tpu.memory_space<vmem>>
    %dma_start3A_15 = arith.constant 128 : i32
    %dma_start3A_16 = tpu.memref_slice %arg5[%dma_start3A_15] : memref<640xi32, #tpu.memory_space<vmem>> -> memref<128xi32, #tpu.memory_space<vmem>>
    %dma_start3A_17 = arith.constant 0 : i32
    %dma_start3A_18 = arith.constant 0 : i32
    %dma_start3A_19 = tpu.memref_slice %arg3[%dma_start3A_17, %dma_start3A_18] : memref<100000x128xf32, #tpu.memory_space<hbm>> -> memref<100000x128xf32, #tpu.memory_space<hbm>>
    tpu.enqueue_indirect_dma source(%dma_start3A_19 : memref<100000x128xf32, #tpu.memory_space<hbm>>) target(%dma_start3A_14 : memref<128x128xf32, #tpu.memory_space<vmem>>) offsets(%dma_start3A_16 : memref<128xi32, #tpu.memory_space<vmem>>) semaphore(%arg8 : memref<!tpu.dma_semaphore, #tpu.memory_space<semaphore_mem>>)
    %dma_start3A_20 = arith.constant 256 : i32
    %dma_start3A_21 = arith.constant 0 : i32
    %dma_start3A_22 = tpu.memref_slice %arg6[%dma_start3A_20, %dma_start3A_21] : memref<640x128xf32, #tpu.memory_space<vmem>> -> memref<128x128xf32, #tpu.memory_space<vmem>>
    %dma_start3A_23 = arith.constant 256 : i32
    %dma_start3A_24 = tpu.memref_slice %arg5[%dma_start3A_23] : memref<640xi32, #tpu.memory_space<vmem>> -> memref<128xi32, #tpu.memory_space<vmem>>
    %dma_start3A_25 = arith.constant 0 : i32
    %dma_start3A_26 = arith.constant 0 : i32
    %dma_start3A_27 = tpu.memref_slice %arg3[%dma_start3A_25, %dma_start3A_26] : memref<100000x128xf32, #tpu.memory_space<hbm>> -> memref<100000x128xf32, #tpu.memory_space<hbm>>
    tpu.enqueue_indirect_dma source(%dma_start3A_27 : memref<100000x128xf32, #tpu.memory_space<hbm>>) target(%dma_start3A_22 : memref<128x128xf32, #tpu.memory_space<vmem>>) offsets(%dma_start3A_24 : memref<128xi32, #tpu.memory_space<vmem>>) semaphore(%arg8 : memref<!tpu.dma_semaphore, #tpu.memory_space<semaphore_mem>>)
    %dma_start3A_28 = arith.constant 384 : i32
    %dma_start3A_29 = arith.constant 0 : i32
    %dma_start3A_30 = tpu.memref_slice %arg6[%dma_start3A_28, %dma_start3A_29] : memref<640x128xf32, #tpu.memory_space<vmem>> -> memref<128x128xf32, #tpu.memory_space<vmem>>
    %dma_start3A_31 = arith.constant 384 : i32
    %dma_start3A_32 = tpu.memref_slice %arg5[%dma_start3A_31] : memref<640xi32, #tpu.memory_space<vmem>> -> memref<128xi32, #tpu.memory_space<vmem>>
    %dma_start3A_33 = arith.constant 0 : i32
    %dma_start3A_34 = arith.constant 0 : i32
    %dma_start3A_35 = tpu.memref_slice %arg3[%dma_start3A_33, %dma_start3A_34] : memref<100000x128xf32, #tpu.memory_space<hbm>> -> memref<100000x128xf32, #tpu.memory_space<hbm>>
    tpu.enqueue_indirect_dma source(%dma_start3A_35 : memref<100000x128xf32, #tpu.memory_space<hbm>>) target(%dma_start3A_30 : memref<128x128xf32, #tpu.memory_space<vmem>>) offsets(%dma_start3A_32 : memref<128xi32, #tpu.memory_space<vmem>>) semaphore(%arg8 : memref<!tpu.dma_semaphore, #tpu.memory_space<semaphore_mem>>)
    %dma_start3A_36 = arith.constant 512 : i32
    %dma_start3A_37 = arith.constant 0 : i32
    %dma_start3A_38 = tpu.memref_slice %arg6[%dma_start3A_36, %dma_start3A_37] : memref<640x128xf32, #tpu.memory_space<vmem>> -> memref<128x128xf32, #tpu.memory_space<vmem>>
    %dma_start3A_39 = arith.constant 512 : i32
    %dma_start3A_40 = tpu.memref_slice %arg5[%dma_start3A_39] : memref<640xi32, #tpu.memory_space<vmem>> -> memref<128xi32, #tpu.memory_space<vmem>>
    %dma_start3A_41 = arith.constant 0 : i32
    %dma_start3A_42 = arith.constant 0 : i32
    %dma_start3A_43 = tpu.memref_slice %arg3[%dma_start3A_41, %dma_start3A_42] : memref<100000x128xf32, #tpu.memory_space<hbm>> -> memref<100000x128xf32, #tpu.memory_space<hbm>>
    tpu.enqueue_indirect_dma source(%dma_start3A_43 : memref<100000x128xf32, #tpu.memory_space<hbm>>) target(%dma_start3A_38 : memref<128x128xf32, #tpu.memory_space<vmem>>) offsets(%dma_start3A_40 : memref<128xi32, #tpu.memory_space<vmem>>) semaphore(%arg8 : memref<!tpu.dma_semaphore, #tpu.memory_space<semaphore_mem>>)
    %dma_wait3A = arith.constant 0 : i32
    %dma_wait3A_44 = arith.constant 0 : i32
    %dma_wait3A_45 = tpu.memref_slice %arg6[%dma_wait3A, %dma_wait3A_44] : memref<640x128xf32, #tpu.memory_space<vmem>> -> memref<128x128xf32, #tpu.memory_space<vmem>>
    %dma_wait3A_46 = arith.constant 0 : i32
    %dma_wait3A_47 = tpu.memref_slice %arg5[%dma_wait3A_46] : memref<640xi32, #tpu.memory_space<vmem>> -> memref<128xi32, #tpu.memory_space<vmem>>
    %dma_wait3A_48 = arith.constant 0 : i32
    %dma_wait3A_49 = arith.constant 0 : i32
    %dma_wait3A_50 = tpu.memref_slice %arg3[%dma_wait3A_48, %dma_wait3A_49] : memref<100000x128xf32, #tpu.memory_space<hbm>> -> memref<100000x128xf32, #tpu.memory_space<hbm>>
    tpu.wait_indirect_dma semaphore(%arg8 : memref<!tpu.dma_semaphore, #tpu.memory_space<semaphore_mem>>) src(%dma_wait3A_50 : memref<100000x128xf32, #tpu.memory_space<hbm>>) dst(%dma_wait3A_45 : memref<128x128xf32, #tpu.memory_space<vmem>>)
    %dma_wait3A_51 = arith.constant 128 : i32
    %dma_wait3A_52 = arith.constant 0 : i32
    %dma_wait3A_53 = tpu.memref_slice %arg6[%dma_wait3A_51, %dma_wait3A_52] : memref<640x128xf32, #tpu.memory_space<vmem>> -> memref<128x128xf32, #tpu.memory_space<vmem>>
    %dma_wait3A_54 = arith.constant 128 : i32
    %dma_wait3A_55 = tpu.memref_slice %arg5[%dma_wait3A_54] : memref<640xi32, #tpu.memory_space<vmem>> -> memref<128xi32, #tpu.memory_space<vmem>>
    %dma_wait3A_56 = arith.constant 0 : i32
    %dma_wait3A_57 = arith.constant 0 : i32
    %dma_wait3A_58 = tpu.memref_slice %arg3[%dma_wait3A_56, %dma_wait3A_57] : memref<100000x128xf32, #tpu.memory_space<hbm>> -> memref<100000x128xf32, #tpu.memory_space<hbm>>
    tpu.wait_indirect_dma semaphore(%arg8 : memref<!tpu.dma_semaphore, #tpu.memory_space<semaphore_mem>>) src(%dma_wait3A_58 : memref<100000x128xf32, #tpu.memory_space<hbm>>) dst(%dma_wait3A_53 : memref<128x128xf32, #tpu.memory_space<vmem>>)
    %dma_wait3A_59 = arith.constant 256 : i32
    %dma_wait3A_60 = arith.constant 0 : i32
    %dma_wait3A_61 = tpu.memref_slice %arg6[%dma_wait3A_59, %dma_wait3A_60] : memref<640x128xf32, #tpu.memory_space<vmem>> -> memref<128x128xf32, #tpu.memory_space<vmem>>
    %dma_wait3A_62 = arith.constant 256 : i32
    %dma_wait3A_63 = tpu.memref_slice %arg5[%dma_wait3A_62] : memref<640xi32, #tpu.memory_space<vmem>> -> memref<128xi32, #tpu.memory_space<vmem>>
    %dma_wait3A_64 = arith.constant 0 : i32
    %dma_wait3A_65 = arith.constant 0 : i32
    %dma_wait3A_66 = tpu.memref_slice %arg3[%dma_wait3A_64, %dma_wait3A_65] : memref<100000x128xf32, #tpu.memory_space<hbm>> -> memref<100000x128xf32, #tpu.memory_space<hbm>>
    tpu.wait_indirect_dma semaphore(%arg8 : memref<!tpu.dma_semaphore, #tpu.memory_space<semaphore_mem>>) src(%dma_wait3A_66 : memref<100000x128xf32, #tpu.memory_space<hbm>>) dst(%dma_wait3A_61 : memref<128x128xf32, #tpu.memory_space<vmem>>)
    %dma_wait3A_67 = arith.constant 384 : i32
    %dma_wait3A_68 = arith.constant 0 : i32
    %dma_wait3A_69 = tpu.memref_slice %arg6[%dma_wait3A_67, %dma_wait3A_68] : memref<640x128xf32, #tpu.memory_space<vmem>> -> memref<128x128xf32, #tpu.memory_space<vmem>>
    %dma_wait3A_70 = arith.constant 384 : i32
    %dma_wait3A_71 = tpu.memref_slice %arg5[%dma_wait3A_70] : memref<640xi32, #tpu.memory_space<vmem>> -> memref<128xi32, #tpu.memory_space<vmem>>
    %dma_wait3A_72 = arith.constant 0 : i32
    %dma_wait3A_73 = arith.constant 0 : i32
    %dma_wait3A_74 = tpu.memref_slice %arg3[%dma_wait3A_72, %dma_wait3A_73] : memref<100000x128xf32, #tpu.memory_space<hbm>> -> memref<100000x128xf32, #tpu.memory_space<hbm>>
    tpu.wait_indirect_dma semaphore(%arg8 : memref<!tpu.dma_semaphore, #tpu.memory_space<semaphore_mem>>) src(%dma_wait3A_74 : memref<100000x128xf32, #tpu.memory_space<hbm>>) dst(%dma_wait3A_69 : memref<128x128xf32, #tpu.memory_space<vmem>>)
    %dma_wait3A_75 = arith.constant 512 : i32
    %dma_wait3A_76 = arith.constant 0 : i32
    %dma_wait3A_77 = tpu.memref_slice %arg6[%dma_wait3A_75, %dma_wait3A_76] : memref<640x128xf32, #tpu.memory_space<vmem>> -> memref<128x128xf32, #tpu.memory_space<vmem>>
    %dma_wait3A_78 = arith.constant 512 : i32
    %dma_wait3A_79 = tpu.memref_slice %arg5[%dma_wait3A_78] : memref<640xi32, #tpu.memory_space<vmem>> -> memref<128xi32, #tpu.memory_space<vmem>>
    %dma_wait3A_80 = arith.constant 0 : i32
    %dma_wait3A_81 = arith.constant 0 : i32
    %dma_wait3A_82 = tpu.memref_slice %arg3[%dma_wait3A_80, %dma_wait3A_81] : memref<100000x128xf32, #tpu.memory_space<hbm>> -> memref<100000x128xf32, #tpu.memory_space<hbm>>
    tpu.wait_indirect_dma semaphore(%arg8 : memref<!tpu.dma_semaphore, #tpu.memory_space<semaphore_mem>>) src(%dma_wait3A_82 : memref<100000x128xf32, #tpu.memory_space<hbm>>) dst(%dma_wait3A_77 : memref<128x128xf32, #tpu.memory_space<vmem>>)
    %scan3A = arith.constant 0 : i32
    %scan3A_83 = arith.constant 64 : i32
    %scan3A_84 = arith.addi %scan3A, %scan3A_83 : i32
    %scan3A_85 = arith.constant 1 : i32
    scf.for %scan3A_184 = %scan3A to %scan3A_84 step %scan3A_85  : i32 {
      %mul3A_185 = arith.constant 10 : i32
      %mul3A_186 = arith.muli %scan3A_184, %mul3A_185 : i32
      %get3A = arith.index_cast %mul3A_186 : i32 to index
      %get3A_187 = arith.constant 0 : index
      %get3A_188 = tpu.vector_load %arg6[%get3A, %get3A_187] {strides = array<i32>} : memref<640x128xf32, #tpu.memory_space<vmem>>, vector<1x16xf32>,
      %get3A_189 = vector.shape_cast %get3A_188 : vector<1x16xf32> to vector<16xf32>
      %add3A_190 = arith.constant 1 : i32
      %add3A_191 = arith.addi %mul3A_186, %add3A_190 : i32
      %get3A_192 = arith.index_cast %add3A_191 : i32 to index
      %get3A_193 = arith.constant 0 : index
      %get3A_194 = tpu.vector_load %arg6[%get3A_192, %get3A_193] {strides = array<i32>} : memref<640x128xf32, #tpu.memory_space<vmem>>, vector<1x16xf32>,
      %get3A_195 = vector.shape_cast %get3A_194 : vector<1x16xf32> to vector<16xf32>
      %add3A_196 = arith.addf %get3A_189, %get3A_195 : vector<16xf32>
      %add3A_197 = arith.constant 2 : i32
      %add3A_198 = arith.addi %mul3A_186, %add3A_197 : i32
      %get3A_199 = arith.index_cast %add3A_198 : i32 to index
      %get3A_200 = arith.constant 0 : index
      %get3A_201 = tpu.vector_load %arg6[%get3A_199, %get3A_200] {strides = array<i32>} : memref<640x128xf32, #tpu.memory_space<vmem>>, vector<1x16xf32>,
      %get3A_202 = vector.shape_cast %get3A_201 : vector<1x16xf32> to vector<16xf32>
      %add3A_203 = arith.addf %add3A_196, %get3A_202 : vector<16xf32>
      %add3A_204 = arith.constant 3 : i32
      %add3A_205 = arith.addi %mul3A_186, %add3A_204 : i32
      %get3A_206 = arith.index_cast %add3A_205 : i32 to index
      %get3A_207 = arith.constant 0 : index
      %get3A_208 = tpu.vector_load %arg6[%get3A_206, %get3A_207] {strides = array<i32>} : memref<640x128xf32, #tpu.memory_space<vmem>>, vector<1x16xf32>,
      %get3A_209 = vector.shape_cast %get3A_208 : vector<1x16xf32> to vector<16xf32>
      %add3A_210 = arith.addf %add3A_203, %get3A_209 : vector<16xf32>
      %add3A_211 = arith.constant 4 : i32
      %add3A_212 = arith.addi %mul3A_186, %add3A_211 : i32
      %get3A_213 = arith.index_cast %add3A_212 : i32 to index
      %get3A_214 = arith.constant 0 : index
      %get3A_215 = tpu.vector_load %arg6[%get3A_213, %get3A_214] {strides = array<i32>} : memref<640x128xf32, #tpu.memory_space<vmem>>, vector<1x16xf32>,
      %get3A_216 = vector.shape_cast %get3A_215 : vector<1x16xf32> to vector<16xf32>
      %add3A_217 = arith.addf %add3A_210, %get3A_216 : vector<16xf32>
      %add3A_218 = arith.constant 5 : i32
      %add3A_219 = arith.addi %mul3A_186, %add3A_218 : i32
      %get3A_220 = arith.index_cast %add3A_219 : i32 to index
      %get3A_221 = arith.constant 0 : index
      %get3A_222 = tpu.vector_load %arg6[%get3A_220, %get3A_221] {strides = array<i32>} : memref<640x128xf32, #tpu.memory_space<vmem>>, vector<1x16xf32>,
      %get3A_223 = vector.shape_cast %get3A_222 : vector<1x16xf32> to vector<16xf32>
      %add3A_224 = arith.addf %add3A_217, %get3A_223 : vector<16xf32>
      %add3A_225 = arith.constant 6 : i32
      %add3A_226 = arith.addi %mul3A_186, %add3A_225 : i32
      %get3A_227 = arith.index_cast %add3A_226 : i32 to index
      %get3A_228 = arith.constant 0 : index
      %get3A_229 = tpu.vector_load %arg6[%get3A_227, %get3A_228] {strides = array<i32>} : memref<640x128xf32, #tpu.memory_space<vmem>>, vector<1x16xf32>,
      %get3A_230 = vector.shape_cast %get3A_229 : vector<1x16xf32> to vector<16xf32>
      %add3A_231 = arith.addf %add3A_224, %get3A_230 : vector<16xf32>
      %add3A_232 = arith.constant 7 : i32
      %add3A_233 = arith.addi %mul3A_186, %add3A_232 : i32
      %get3A_234 = arith.index_cast %add3A_233 : i32 to index
      %get3A_235 = arith.constant 0 : index
      %get3A_236 = tpu.vector_load %arg6[%get3A_234, %get3A_235] {strides = array<i32>} : memref<640x128xf32, #tpu.memory_space<vmem>>, vector<1x16xf32>,
      %get3A_237 = vector.shape_cast %get3A_236 : vector<1x16xf32> to vector<16xf32>
      %add3A_238 = arith.addf %add3A_231, %get3A_237 : vector<16xf32>
      %add3A_239 = arith.constant 8 : i32
      %add3A_240 = arith.addi %mul3A_186, %add3A_239 : i32
      %get3A_241 = arith.index_cast %add3A_240 : i32 to index
      %get3A_242 = arith.constant 0 : index
      %get3A_243 = tpu.vector_load %arg6[%get3A_241, %get3A_242] {strides = array<i32>} : memref<640x128xf32, #tpu.memory_space<vmem>>, vector<1x16xf32>,
      %get3A_244 = vector.shape_cast %get3A_243 : vector<1x16xf32> to vector<16xf32>
      %add3A_245 = arith.addf %add3A_238, %get3A_244 : vector<16xf32>
      %add3A_246 = arith.constant 9 : i32
      %add3A_247 = arith.addi %mul3A_186, %add3A_246 : i32
      %get3A_248 = arith.index_cast %add3A_247 : i32 to index
      %get3A_249 = arith.constant 0 : index
      %get3A_250 = tpu.vector_load %arg6[%get3A_248, %get3A_249] {strides = array<i32>} : memref<640x128xf32, #tpu.memory_space<vmem>>, vector<1x16xf32>,
      %get3A_251 = vector.shape_cast %get3A_250 : vector<1x16xf32> to vector<16xf32>
      %add3A_252 = arith.addf %add3A_245, %get3A_251 : vector<16xf32>
      %mul3A_253 = arith.constant 1.000000e-01 : f32
      %mul3A_254 = vector.broadcast %mul3A_253 : f32 to vector<16xf32>
      %mul3A_255 = arith.mulf %add3A_252, %mul3A_254 : vector<16xf32>
      %swap3A = arith.index_cast %scan3A_184 : i32 to index
      %swap3A_256 = arith.constant 0 : index
      %swap3A_257 = tpu.vector_load %arg7[%swap3A, %swap3A_256] {strides = array<i32>} : memref<64x128xf32, #tpu.memory_space<vmem>>, vector<1x16xf32>,
      %swap3A_258 = vector.shape_cast %swap3A_257 : vector<1x16xf32> to vector<16xf32>
      %swap3A_259 = vector.shape_cast %mul3A_255 : vector<16xf32> to vector<1x16xf32>
      tpu.vector_store %arg7[%swap3A, %swap3A_256], %swap3A_259 {strides = array<i32>} : memref<64x128xf32, #tpu.memory_space<vmem>>, vector<1x16xf32>,
      %get3A_260 = arith.index_cast %mul3A_186 : i32 to index
      %get3A_261 = arith.constant 16 : index
      %get3A_262 = tpu.vector_load %arg6[%get3A_260, %get3A_261] {strides = array<i32>} : memref<640x128xf32, #tpu.memory_space<vmem>>, vector<1x16xf32>,
      %get3A_263 = vector.shape_cast %get3A_262 : vector<1x16xf32> to vector<16xf32>
      %add3A_264 = arith.constant 1 : i32
      %add3A_265 = arith.addi %mul3A_186, %add3A_264 : i32
      %get3A_266 = arith.index_cast %add3A_265 : i32 to index
      %get3A_267 = arith.constant 16 : index
      %get3A_268 = tpu.vector_load %arg6[%get3A_266, %get3A_267] {strides = array<i32>} : memref<640x128xf32, #tpu.memory_space<vmem>>, vector<1x16xf32>,
      %get3A_269 = vector.shape_cast %get3A_268 : vector<1x16xf32> to vector<16xf32>
      %add3A_270 = arith.addf %get3A_263, %get3A_269 : vector<16xf32>
      %add3A_271 = arith.constant 2 : i32
      %add3A_272 = arith.addi %mul3A_186, %add3A_271 : i32
      %get3A_273 = arith.index_cast %add3A_272 : i32 to index
      %get3A_274 = arith.constant 16 : index
      %get3A_275 = tpu.vector_load %arg6[%get3A_273, %get3A_274] {strides = array<i32>} : memref<640x128xf32, #tpu.memory_space<vmem>>, vector<1x16xf32>,
      %get3A_276 = vector.shape_cast %get3A_275 : vector<1x16xf32> to vector<16xf32>
      %add3A_277 = arith.addf %add3A_270, %get3A_276 : vector<16xf32>
      %add3A_278 = arith.constant 3 : i32
      %add3A_279 = arith.addi %mul3A_186, %add3A_278 : i32
      %get3A_280 = arith.index_cast %add3A_279 : i32 to index
      %get3A_281 = arith.constant 16 : index
      %get3A_282 = tpu.vector_load %arg6[%get3A_280, %get3A_281] {strides = array<i32>} : memref<640x128xf32, #tpu.memory_space<vmem>>, vector<1x16xf32>,
      %get3A_283 = vector.shape_cast %get3A_282 : vector<1x16xf32> to vector<16xf32>
      %add3A_284 = arith.addf %add3A_277, %get3A_283 : vector<16xf32>
      %add3A_285 = arith.constant 4 : i32
      %add3A_286 = arith.addi %mul3A_186, %add3A_285 : i32
      %get3A_287 = arith.index_cast %add3A_286 : i32 to index
      %get3A_288 = arith.constant 16 : index
      %get3A_289 = tpu.vector_load %arg6[%get3A_287, %get3A_288] {strides = array<i32>} : memref<640x128xf32, #tpu.memory_space<vmem>>, vector<1x16xf32>,
      %get3A_290 = vector.shape_cast %get3A_289 : vector<1x16xf32> to vector<16xf32>
      %add3A_291 = arith.addf %add3A_284, %get3A_290 : vector<16xf32>
      %add3A_292 = arith.constant 5 : i32
      %add3A_293 = arith.addi %mul3A_186, %add3A_292 : i32
      %get3A_294 = arith.index_cast %add3A_293 : i32 to index
      %get3A_295 = arith.constant 16 : index
      %get3A_296 = tpu.vector_load %arg6[%get3A_294, %get3A_295] {strides = array<i32>} : memref<640x128xf32, #tpu.memory_space<vmem>>, vector<1x16xf32>,
      %get3A_297 = vector.shape_cast %get3A_296 : vector<1x16xf32> to vector<16xf32>
      %add3A_298 = arith.addf %add3A_291, %get3A_297 : vector<16xf32>
      %add3A_299 = arith.constant 6 : i32
      %add3A_300 = arith.addi %mul3A_186, %add3A_299 : i32
      %get3A_301 = arith.index_cast %add3A_300 : i32 to index
      %get3A_302 = arith.constant 16 : index
      %get3A_303 = tpu.vector_load %arg6[%get3A_301, %get3A_302] {strides = array<i32>} : memref<640x128xf32, #tpu.memory_space<vmem>>, vector<1x16xf32>,
      %get3A_304 = vector.shape_cast %get3A_303 : vector<1x16xf32> to vector<16xf32>
      %add3A_305 = arith.addf %add3A_298, %get3A_304 : vector<16xf32>
      %add3A_306 = arith.constant 7 : i32
      %add3A_307 = arith.addi %mul3A_186, %add3A_306 : i32
      %get3A_308 = arith.index_cast %add3A_307 : i32 to index
      %get3A_309 = arith.constant 16 : index
      %get3A_310 = tpu.vector_load %arg6[%get3A_308, %get3A_309] {strides = array<i32>} : memref<640x128xf32, #tpu.memory_space<vmem>>, vector<1x16xf32>,
      %get3A_311 = vector.shape_cast %get3A_310 : vector<1x16xf32> to vector<16xf32>
      %add3A_312 = arith.addf %add3A_305, %get3A_311 : vector<16xf32>
      %add3A_313 = arith.constant 8 : i32
      %add3A_314 = arith.addi %mul3A_186, %add3A_313 : i32
      %get3A_315 = arith.index_cast %add3A_314 : i32 to index
      %get3A_316 = arith.constant 16 : index
      %get3A_317 = tpu.vector_load %arg6[%get3A_315, %get3A_316] {strides = array<i32>} : memref<640x128xf32, #tpu.memory_space<vmem>>, vector<1x16xf32>,
      %get3A_318 = vector.shape_cast %get3A_317 : vector<1x16xf32> to vector<16xf32>
      %add3A_319 = arith.addf %add3A_312, %get3A_318 : vector<16xf32>
      %add3A_320 = arith.constant 9 : i32
      %add3A_321 = arith.addi %mul3A_186, %add3A_320 : i32
      %get3A_322 = arith.index_cast %add3A_321 : i32 to index
      %get3A_323 = arith.constant 16 : index
      %get3A_324 = tpu.vector_load %arg6[%get3A_322, %get3A_323] {strides = array<i32>} : memref<640x128xf32, #tpu.memory_space<vmem>>, vector<1x16xf32>,
      %get3A_325 = vector.shape_cast %get3A_324 : vector<1x16xf32> to vector<16xf32>
      %add3A_326 = arith.addf %add3A_319, %get3A_325 : vector<16xf32>
      %mul3A_327 = arith.constant 1.000000e-01 : f32
      %mul3A_328 = vector.broadcast %mul3A_327 : f32 to vector<16xf32>
      %mul3A_329 = arith.mulf %add3A_326, %mul3A_328 : vector<16xf32>
      %swap3A_330 = arith.index_cast %scan3A_184 : i32 to index
      %swap3A_331 = arith.constant 16 : index
      %swap3A_332 = tpu.vector_load %arg7[%swap3A_330, %swap3A_331] {strides = array<i32>} : memref<64x128xf32, #tpu.memory_space<vmem>>, vector<1x16xf32>,
      %swap3A_333 = vector.shape_cast %swap3A_332 : vector<1x16xf32> to vector<16xf32>
      %swap3A_334 = vector.shape_cast %mul3A_329 : vector<16xf32> to vector<1x16xf32>
      tpu.vector_store %arg7[%swap3A_330, %swap3A_331], %swap3A_334 {strides = array<i32>} : memref<64x128xf32, #tpu.memory_space<vmem>>, vector<1x16xf32>,
      %get3A_335 = arith.index_cast %mul3A_186 : i32 to index
      %get3A_336 = arith.constant 32 : index
      %get3A_337 = tpu.vector_load %arg6[%get3A_335, %get3A_336] {strides = array<i32>} : memref<640x128xf32, #tpu.memory_space<vmem>>, vector<1x16xf32>,
      %get3A_338 = vector.shape_cast %get3A_337 : vector<1x16xf32> to vector<16xf32>
      %add3A_339 = arith.constant 1 : i32
      %add3A_340 = arith.addi %mul3A_186, %add3A_339 : i32
      %get3A_341 = arith.index_cast %add3A_340 : i32 to index
      %get3A_342 = arith.constant 32 : index
      %get3A_343 = tpu.vector_load %arg6[%get3A_341, %get3A_342] {strides = array<i32>} : memref<640x128xf32, #tpu.memory_space<vmem>>, vector<1x16xf32>,
      %get3A_344 = vector.shape_cast %get3A_343 : vector<1x16xf32> to vector<16xf32>
      %add3A_345 = arith.addf %get3A_338, %get3A_344 : vector<16xf32>
      %add3A_346 = arith.constant 2 : i32
      %add3A_347 = arith.addi %mul3A_186, %add3A_346 : i32
      %get3A_348 = arith.index_cast %add3A_347 : i32 to index
      %get3A_349 = arith.constant 32 : index
      %get3A_350 = tpu.vector_load %arg6[%get3A_348, %get3A_349] {strides = array<i32>} : memref<640x128xf32, #tpu.memory_space<vmem>>, vector<1x16xf32>,
      %get3A_351 = vector.shape_cast %get3A_350 : vector<1x16xf32> to vector<16xf32>
      %add3A_352 = arith.addf %add3A_345, %get3A_351 : vector<16xf32>
      %add3A_353 = arith.constant 3 : i32
      %add3A_354 = arith.addi %mul3A_186, %add3A_353 : i32
      %get3A_355 = arith.index_cast %add3A_354 : i32 to index
      %get3A_356 = arith.constant 32 : index
      %get3A_357 = tpu.vector_load %arg6[%get3A_355, %get3A_356] {strides = array<i32>} : memref<640x128xf32, #tpu.memory_space<vmem>>, vector<1x16xf32>,
      %get3A_358 = vector.shape_cast %get3A_357 : vector<1x16xf32> to vector<16xf32>
      %add3A_359 = arith.addf %add3A_352, %get3A_358 : vector<16xf32>
      %add3A_360 = arith.constant 4 : i32
      %add3A_361 = arith.addi %mul3A_186, %add3A_360 : i32
      %get3A_362 = arith.index_cast %add3A_361 : i32 to index
      %get3A_363 = arith.constant 32 : index
      %get3A_364 = tpu.vector_load %arg6[%get3A_362, %get3A_363] {strides = array<i32>} : memref<640x128xf32, #tpu.memory_space<vmem>>, vector<1x16xf32>,
      %get3A_365 = vector.shape_cast %get3A_364 : vector<1x16xf32> to vector<16xf32>
      %add3A_366 = arith.addf %add3A_359, %get3A_365 : vector<16xf32>
      %add3A_367 = arith.constant 5 : i32
      %add3A_368 = arith.addi %mul3A_186, %add3A_367 : i32
      %get3A_369 = arith.index_cast %add3A_368 : i32 to index
      %get3A_370 = arith.constant 32 : index
      %get3A_371 = tpu.vector_load %arg6[%get3A_369, %get3A_370] {strides = array<i32>} : memref<640x128xf32, #tpu.memory_space<vmem>>, vector<1x16xf32>,
      %get3A_372 = vector.shape_cast %get3A_371 : vector<1x16xf32> to vector<16xf32>
      %add3A_373 = arith.addf %add3A_366, %get3A_372 : vector<16xf32>
      %add3A_374 = arith.constant 6 : i32
      %add3A_375 = arith.addi %mul3A_186, %add3A_374 : i32
      %get3A_376 = arith.index_cast %add3A_375 : i32 to index
      %get3A_377 = arith.constant 32 : index
      %get3A_378 = tpu.vector_load %arg6[%get3A_376, %get3A_377] {strides = array<i32>} : memref<640x128xf32, #tpu.memory_space<vmem>>, vector<1x16xf32>,
      %get3A_379 = vector.shape_cast %get3A_378 : vector<1x16xf32> to vector<16xf32>
      %add3A_380 = arith.addf %add3A_373, %get3A_379 : vector<16xf32>
      %add3A_381 = arith.constant 7 : i32
      %add3A_382 = arith.addi %mul3A_186, %add3A_381 : i32
      %get3A_383 = arith.index_cast %add3A_382 : i32 to index
      %get3A_384 = arith.constant 32 : index
      %get3A_385 = tpu.vector_load %arg6[%get3A_383, %get3A_384] {strides = array<i32>} : memref<640x128xf32, #tpu.memory_space<vmem>>, vector<1x16xf32>,
      %get3A_386 = vector.shape_cast %get3A_385 : vector<1x16xf32> to vector<16xf32>
      %add3A_387 = arith.addf %add3A_380, %get3A_386 : vector<16xf32>
      %add3A_388 = arith.constant 8 : i32
      %add3A_389 = arith.addi %mul3A_186, %add3A_388 : i32
      %get3A_390 = arith.index_cast %add3A_389 : i32 to index
      %get3A_391 = arith.constant 32 : index
      %get3A_392 = tpu.vector_load %arg6[%get3A_390, %get3A_391] {strides = array<i32>} : memref<640x128xf32, #tpu.memory_space<vmem>>, vector<1x16xf32>,
      %get3A_393 = vector.shape_cast %get3A_392 : vector<1x16xf32> to vector<16xf32>
      %add3A_394 = arith.addf %add3A_387, %get3A_393 : vector<16xf32>
      %add3A_395 = arith.constant 9 : i32
      %add3A_396 = arith.addi %mul3A_186, %add3A_395 : i32
      %get3A_397 = arith.index_cast %add3A_396 : i32 to index
      %get3A_398 = arith.constant 32 : index
      %get3A_399 = tpu.vector_load %arg6[%get3A_397, %get3A_398] {strides = array<i32>} : memref<640x128xf32, #tpu.memory_space<vmem>>, vector<1x16xf32>,
      %get3A_400 = vector.shape_cast %get3A_399 : vector<1x16xf32> to vector<16xf32>
      %add3A_401 = arith.addf %add3A_394, %get3A_400 : vector<16xf32>
      %mul3A_402 = arith.constant 1.000000e-01 : f32
      %mul3A_403 = vector.broadcast %mul3A_402 : f32 to vector<16xf32>
      %mul3A_404 = arith.mulf %add3A_401, %mul3A_403 : vector<16xf32>
      %swap3A_405 = arith.index_cast %scan3A_184 : i32 to index
      %swap3A_406 = arith.constant 32 : index
      %swap3A_407 = tpu.vector_load %arg7[%swap3A_405, %swap3A_406] {strides = array<i32>} : memref<64x128xf32, #tpu.memory_space<vmem>>, vector<1x16xf32>,
      %swap3A_408 = vector.shape_cast %swap3A_407 : vector<1x16xf32> to vector<16xf32>
      %swap3A_409 = vector.shape_cast %mul3A_404 : vector<16xf32> to vector<1x16xf32>
      tpu.vector_store %arg7[%swap3A_405, %swap3A_406], %swap3A_409 {strides = array<i32>} : memref<64x128xf32, #tpu.memory_space<vmem>>, vector<1x16xf32>,
      %get3A_410 = arith.index_cast %mul3A_186 : i32 to index
      %get3A_411 = arith.constant 48 : index
      %get3A_412 = tpu.vector_load %arg6[%get3A_410, %get3A_411] {strides = array<i32>} : memref<640x128xf32, #tpu.memory_space<vmem>>, vector<1x16xf32>,
      %get3A_413 = vector.shape_cast %get3A_412 : vector<1x16xf32> to vector<16xf32>
      %add3A_414 = arith.constant 1 : i32
      %add3A_415 = arith.addi %mul3A_186, %add3A_414 : i32
      %get3A_416 = arith.index_cast %add3A_415 : i32 to index
      %get3A_417 = arith.constant 48 : index
      %get3A_418 = tpu.vector_load %arg6[%get3A_416, %get3A_417] {strides = array<i32>} : memref<640x128xf32, #tpu.memory_space<vmem>>, vector<1x16xf32>,
      %get3A_419 = vector.shape_cast %get3A_418 : vector<1x16xf32> to vector<16xf32>
      %add3A_420 = arith.addf %get3A_413, %get3A_419 : vector<16xf32>
      %add3A_421 = arith.constant 2 : i32
      %add3A_422 = arith.addi %mul3A_186, %add3A_421 : i32
      %get3A_423 = arith.index_cast %add3A_422 : i32 to index
      %get3A_424 = arith.constant 48 : index
      %get3A_425 = tpu.vector_load %arg6[%get3A_423, %get3A_424] {strides = array<i32>} : memref<640x128xf32, #tpu.memory_space<vmem>>, vector<1x16xf32>,
      %get3A_426 = vector.shape_cast %get3A_425 : vector<1x16xf32> to vector<16xf32>
      %add3A_427 = arith.addf %add3A_420, %get3A_426 : vector<16xf32>
      %add3A_428 = arith.constant 3 : i32
      %add3A_429 = arith.addi %mul3A_186, %add3A_428 : i32
      %get3A_430 = arith.index_cast %add3A_429 : i32 to index
      %get3A_431 = arith.constant 48 : index
      %get3A_432 = tpu.vector_load %arg6[%get3A_430, %get3A_431] {strides = array<i32>} : memref<640x128xf32, #tpu.memory_space<vmem>>, vector<1x16xf32>,
      %get3A_433 = vector.shape_cast %get3A_432 : vector<1x16xf32> to vector<16xf32>
      %add3A_434 = arith.addf %add3A_427, %get3A_433 : vector<16xf32>
      %add3A_435 = arith.constant 4 : i32
      %add3A_436 = arith.addi %mul3A_186, %add3A_435 : i32
      %get3A_437 = arith.index_cast %add3A_436 : i32 to index
      %get3A_438 = arith.constant 48 : index
      %get3A_439 = tpu.vector_load %arg6[%get3A_437, %get3A_438] {strides = array<i32>} : memref<640x128xf32, #tpu.memory_space<vmem>>, vector<1x16xf32>,
      %get3A_440 = vector.shape_cast %get3A_439 : vector<1x16xf32> to vector<16xf32>
      %add3A_441 = arith.addf %add3A_434, %get3A_440 : vector<16xf32>
      %add3A_442 = arith.constant 5 : i32
      %add3A_443 = arith.addi %mul3A_186, %add3A_442 : i32
      %get3A_444 = arith.index_cast %add3A_443 : i32 to index
      %get3A_445 = arith.constant 48 : index
      %get3A_446 = tpu.vector_load %arg6[%get3A_444, %get3A_445] {strides = array<i32>} : memref<640x128xf32, #tpu.memory_space<vmem>>, vector<1x16xf32>,
      %get3A_447 = vector.shape_cast %get3A_446 : vector<1x16xf32> to vector<16xf32>
      %add3A_448 = arith.addf %add3A_441, %get3A_447 : vector<16xf32>
      %add3A_449 = arith.constant 6 : i32
      %add3A_450 = arith.addi %mul3A_186, %add3A_449 : i32
      %get3A_451 = arith.index_cast %add3A_450 : i32 to index
      %get3A_452 = arith.constant 48 : index
      %get3A_453 = tpu.vector_load %arg6[%get3A_451, %get3A_452] {strides = array<i32>} : memref<640x128xf32, #tpu.memory_space<vmem>>, vector<1x16xf32>,
      %get3A_454 = vector.shape_cast %get3A_453 : vector<1x16xf32> to vector<16xf32>
      %add3A_455 = arith.addf %add3A_448, %get3A_454 : vector<16xf32>
      %add3A_456 = arith.constant 7 : i32
      %add3A_457 = arith.addi %mul3A_186, %add3A_456 : i32
      %get3A_458 = arith.index_cast %add3A_457 : i32 to index
      %get3A_459 = arith.constant 48 : index
      %get3A_460 = tpu.vector_load %arg6[%get3A_458, %get3A_459] {strides = array<i32>} : memref<640x128xf32, #tpu.memory_space<vmem>>, vector<1x16xf32>,
      %get3A_461 = vector.shape_cast %get3A_460 : vector<1x16xf32> to vector<16xf32>
      %add3A_462 = arith.addf %add3A_455, %get3A_461 : vector<16xf32>
      %add3A_463 = arith.constant 8 : i32
      %add3A_464 = arith.addi %mul3A_186, %add3A_463 : i32
      %get3A_465 = arith.index_cast %add3A_464 : i32 to index
      %get3A_466 = arith.constant 48 : index
      %get3A_467 = tpu.vector_load %arg6[%get3A_465, %get3A_466] {strides = array<i32>} : memref<640x128xf32, #tpu.memory_space<vmem>>, vector<1x16xf32>,
      %get3A_468 = vector.shape_cast %get3A_467 : vector<1x16xf32> to vector<16xf32>
      %add3A_469 = arith.addf %add3A_462, %get3A_468 : vector<16xf32>
      %add3A_470 = arith.constant 9 : i32
      %add3A_471 = arith.addi %mul3A_186, %add3A_470 : i32
      %get3A_472 = arith.index_cast %add3A_471 : i32 to index
      %get3A_473 = arith.constant 48 : index
      %get3A_474 = tpu.vector_load %arg6[%get3A_472, %get3A_473] {strides = array<i32>} : memref<640x128xf32, #tpu.memory_space<vmem>>, vector<1x16xf32>,
      %get3A_475 = vector.shape_cast %get3A_474 : vector<1x16xf32> to vector<16xf32>
      %add3A_476 = arith.addf %add3A_469, %get3A_475 : vector<16xf32>
      %mul3A_477 = arith.constant 1.000000e-01 : f32
      %mul3A_478 = vector.broadcast %mul3A_477 : f32 to vector<16xf32>
      %mul3A_479 = arith.mulf %add3A_476, %mul3A_478 : vector<16xf32>
      %swap3A_480 = arith.index_cast %scan3A_184 : i32 to index
      %swap3A_481 = arith.constant 48 : index
      %swap3A_482 = tpu.vector_load %arg7[%swap3A_480, %swap3A_481] {strides = array<i32>} : memref<64x128xf32, #tpu.memory_space<vmem>>, vector<1x16xf32>,
      %swap3A_483 = vector.shape_cast %swap3A_482 : vector<1x16xf32> to vector<16xf32>
      %swap3A_484 = vector.shape_cast %mul3A_479 : vector<16xf32> to vector<1x16xf32>
      tpu.vector_store %arg7[%swap3A_480, %swap3A_481], %swap3A_484 {strides = array<i32>} : memref<64x128xf32, #tpu.memory_space<vmem>>, vector<1x16xf32>,
      %get3A_485 = arith.index_cast %mul3A_186 : i32 to index
      %get3A_486 = arith.constant 64 : index
      %get3A_487 = tpu.vector_load %arg6[%get3A_485, %get3A_486] {strides = array<i32>} : memref<640x128xf32, #tpu.memory_space<vmem>>, vector<1x16xf32>,
      %get3A_488 = vector.shape_cast %get3A_487 : vector<1x16xf32> to vector<16xf32>
      %add3A_489 = arith.constant 1 : i32
      %add3A_490 = arith.addi %mul3A_186, %add3A_489 : i32
      %get3A_491 = arith.index_cast %add3A_490 : i32 to index
      %get3A_492 = arith.constant 64 : index
      %get3A_493 = tpu.vector_load %arg6[%get3A_491, %get3A_492] {strides = array<i32>} : memref<640x128xf32, #tpu.memory_space<vmem>>, vector<1x16xf32>,
      %get3A_494 = vector.shape_cast %get3A_493 : vector<1x16xf32> to vector<16xf32>
      %add3A_495 = arith.addf %get3A_488, %get3A_494 : vector<16xf32>
      %add3A_496 = arith.constant 2 : i32
      %add3A_497 = arith.addi %mul3A_186, %add3A_496 : i32
      %get3A_498 = arith.index_cast %add3A_497 : i32 to index
      %get3A_499 = arith.constant 64 : index
      %get3A_500 = tpu.vector_load %arg6[%get3A_498, %get3A_499] {strides = array<i32>} : memref<640x128xf32, #tpu.memory_space<vmem>>, vector<1x16xf32>,
      %get3A_501 = vector.shape_cast %get3A_500 : vector<1x16xf32> to vector<16xf32>
      %add3A_502 = arith.addf %add3A_495, %get3A_501 : vector<16xf32>
      %add3A_503 = arith.constant 3 : i32
      %add3A_504 = arith.addi %mul3A_186, %add3A_503 : i32
      %get3A_505 = arith.index_cast %add3A_504 : i32 to index
      %get3A_506 = arith.constant 64 : index
      %get3A_507 = tpu.vector_load %arg6[%get3A_505, %get3A_506] {strides = array<i32>} : memref<640x128xf32, #tpu.memory_space<vmem>>, vector<1x16xf32>,
      %get3A_508 = vector.shape_cast %get3A_507 : vector<1x16xf32> to vector<16xf32>
      %add3A_509 = arith.addf %add3A_502, %get3A_508 : vector<16xf32>
      %add3A_510 = arith.constant 4 : i32
      %add3A_511 = arith.addi %mul3A_186, %add3A_510 : i32
      %get3A_512 = arith.index_cast %add3A_511 : i32 to index
      %get3A_513 = arith.constant 64 : index
      %get3A_514 = tpu.vector_load %arg6[%get3A_512, %get3A_513] {strides = array<i32>} : memref<640x128xf32, #tpu.memory_space<vmem>>, vector<1x16xf32>,
      %get3A_515 = vector.shape_cast %get3A_514 : vector<1x16xf32> to vector<16xf32>
      %add3A_516 = arith.addf %add3A_509, %get3A_515 : vector<16xf32>
      %add3A_517 = arith.constant 5 : i32
      %add3A_518 = arith.addi %mul3A_186, %add3A_517 : i32
      %get3A_519 = arith.index_cast %add3A_518 : i32 to index
      %get3A_520 = arith.constant 64 : index
      %get3A_521 = tpu.vector_load %arg6[%get3A_519, %get3A_520] {strides = array<i32>} : memref<640x128xf32, #tpu.memory_space<vmem>>, vector<1x16xf32>,
      %get3A_522 = vector.shape_cast %get3A_521 : vector<1x16xf32> to vector<16xf32>
      %add3A_523 = arith.addf %add3A_516, %get3A_522 : vector<16xf32>
      %add3A_524 = arith.constant 6 : i32
      %add3A_525 = arith.addi %mul3A_186, %add3A_524 : i32
      %get3A_526 = arith.index_cast %add3A_525 : i32 to index
      %get3A_527 = arith.constant 64 : index
      %get3A_528 = tpu.vector_load %arg6[%get3A_526, %get3A_527] {strides = array<i32>} : memref<640x128xf32, #tpu.memory_space<vmem>>, vector<1x16xf32>,
      %get3A_529 = vector.shape_cast %get3A_528 : vector<1x16xf32> to vector<16xf32>
      %add3A_530 = arith.addf %add3A_523, %get3A_529 : vector<16xf32>
      %add3A_531 = arith.constant 7 : i32
      %add3A_532 = arith.addi %mul3A_186, %add3A_531 : i32
      %get3A_533 = arith.index_cast %add3A_532 : i32 to index
      %get3A_534 = arith.constant 64 : index
      %get3A_535 = tpu.vector_load %arg6[%get3A_533, %get3A_534] {strides = array<i32>} : memref<640x128xf32, #tpu.memory_space<vmem>>, vector<1x16xf32>,
      %get3A_536 = vector.shape_cast %get3A_535 : vector<1x16xf32> to vector<16xf32>
      %add3A_537 = arith.addf %add3A_530, %get3A_536 : vector<16xf32>
      %add3A_538 = arith.constant 8 : i32
      %add3A_539 = arith.addi %mul3A_186, %add3A_538 : i32
      %get3A_540 = arith.index_cast %add3A_539 : i32 to index
      %get3A_541 = arith.constant 64 : index
      %get3A_542 = tpu.vector_load %arg6[%get3A_540, %get3A_541] {strides = array<i32>} : memref<640x128xf32, #tpu.memory_space<vmem>>, vector<1x16xf32>,
      %get3A_543 = vector.shape_cast %get3A_542 : vector<1x16xf32> to vector<16xf32>
      %add3A_544 = arith.addf %add3A_537, %get3A_543 : vector<16xf32>
      %add3A_545 = arith.constant 9 : i32
      %add3A_546 = arith.addi %mul3A_186, %add3A_545 : i32
      %get3A_547 = arith.index_cast %add3A_546 : i32 to index
      %get3A_548 = arith.constant 64 : index
      %get3A_549 = tpu.vector_load %arg6[%get3A_547, %get3A_548] {strides = array<i32>} : memref<640x128xf32, #tpu.memory_space<vmem>>, vector<1x16xf32>,
      %get3A_550 = vector.shape_cast %get3A_549 : vector<1x16xf32> to vector<16xf32>
      %add3A_551 = arith.addf %add3A_544, %get3A_550 : vector<16xf32>
      %mul3A_552 = arith.constant 1.000000e-01 : f32
      %mul3A_553 = vector.broadcast %mul3A_552 : f32 to vector<16xf32>
      %mul3A_554 = arith.mulf %add3A_551, %mul3A_553 : vector<16xf32>
      %swap3A_555 = arith.index_cast %scan3A_184 : i32 to index
      %swap3A_556 = arith.constant 64 : index
      %swap3A_557 = tpu.vector_load %arg7[%swap3A_555, %swap3A_556] {strides = array<i32>} : memref<64x128xf32, #tpu.memory_space<vmem>>, vector<1x16xf32>,
      %swap3A_558 = vector.shape_cast %swap3A_557 : vector<1x16xf32> to vector<16xf32>
      %swap3A_559 = vector.shape_cast %mul3A_554 : vector<16xf32> to vector<1x16xf32>
      tpu.vector_store %arg7[%swap3A_555, %swap3A_556], %swap3A_559 {strides = array<i32>} : memref<64x128xf32, #tpu.memory_space<vmem>>, vector<1x16xf32>,
      %get3A_560 = arith.index_cast %mul3A_186 : i32 to index
      %get3A_561 = arith.constant 80 : index
      %get3A_562 = tpu.vector_load %arg6[%get3A_560, %get3A_561] {strides = array<i32>} : memref<640x128xf32, #tpu.memory_space<vmem>>, vector<1x16xf32>,
      %get3A_563 = vector.shape_cast %get3A_562 : vector<1x16xf32> to vector<16xf32>
      %add3A_564 = arith.constant 1 : i32
      %add3A_565 = arith.addi %mul3A_186, %add3A_564 : i32
      %get3A_566 = arith.index_cast %add3A_565 : i32 to index
      %get3A_567 = arith.constant 80 : index
      %get3A_568 = tpu.vector_load %arg6[%get3A_566, %get3A_567] {strides = array<i32>} : memref<640x128xf32, #tpu.memory_space<vmem>>, vector<1x16xf32>,
      %get3A_569 = vector.shape_cast %get3A_568 : vector<1x16xf32> to vector<16xf32>
      %add3A_570 = arith.addf %get3A_563, %get3A_569 : vector<16xf32>
      %add3A_571 = arith.constant 2 : i32
      %add3A_572 = arith.addi %mul3A_186, %add3A_571 : i32
      %get3A_573 = arith.index_cast %add3A_572 : i32 to index
      %get3A_574 = arith.constant 80 : index
      %get3A_575 = tpu.vector_load %arg6[%get3A_573, %get3A_574] {strides = array<i32>} : memref<640x128xf32, #tpu.memory_space<vmem>>, vector<1x16xf32>,
      %get3A_576 = vector.shape_cast %get3A_575 : vector<1x16xf32> to vector<16xf32>
      %add3A_577 = arith.addf %add3A_570, %get3A_576 : vector<16xf32>
      %add3A_578 = arith.constant 3 : i32
      %add3A_579 = arith.addi %mul3A_186, %add3A_578 : i32
      %get3A_580 = arith.index_cast %add3A_579 : i32 to index
      %get3A_581 = arith.constant 80 : index
      %get3A_582 = tpu.vector_load %arg6[%get3A_580, %get3A_581] {strides = array<i32>} : memref<640x128xf32, #tpu.memory_space<vmem>>, vector<1x16xf32>,
      %get3A_583 = vector.shape_cast %get3A_582 : vector<1x16xf32> to vector<16xf32>
      %add3A_584 = arith.addf %add3A_577, %get3A_583 : vector<16xf32>
      %add3A_585 = arith.constant 4 : i32
      %add3A_586 = arith.addi %mul3A_186, %add3A_585 : i32
      %get3A_587 = arith.index_cast %add3A_586 : i32 to index
      %get3A_588 = arith.constant 80 : index
      %get3A_589 = tpu.vector_load %arg6[%get3A_587, %get3A_588] {strides = array<i32>} : memref<640x128xf32, #tpu.memory_space<vmem>>, vector<1x16xf32>,
      %get3A_590 = vector.shape_cast %get3A_589 : vector<1x16xf32> to vector<16xf32>
      %add3A_591 = arith.addf %add3A_584, %get3A_590 : vector<16xf32>
      %add3A_592 = arith.constant 5 : i32
      %add3A_593 = arith.addi %mul3A_186, %add3A_592 : i32
      %get3A_594 = arith.index_cast %add3A_593 : i32 to index
      %get3A_595 = arith.constant 80 : index
      %get3A_596 = tpu.vector_load %arg6[%get3A_594, %get3A_595] {strides = array<i32>} : memref<640x128xf32, #tpu.memory_space<vmem>>, vector<1x16xf32>,
      %get3A_597 = vector.shape_cast %get3A_596 : vector<1x16xf32> to vector<16xf32>
      %add3A_598 = arith.addf %add3A_591, %get3A_597 : vector<16xf32>
      %add3A_599 = arith.constant 6 : i32
      %add3A_600 = arith.addi %mul3A_186, %add3A_599 : i32
      %get3A_601 = arith.index_cast %add3A_600 : i32 to index
      %get3A_602 = arith.constant 80 : index
      %get3A_603 = tpu.vector_load %arg6[%get3A_601, %get3A_602] {strides = array<i32>} : memref<640x128xf32, #tpu.memory_space<vmem>>, vector<1x16xf32>,
      %get3A_604 = vector.shape_cast %get3A_603 : vector<1x16xf32> to vector<16xf32>
      %add3A_605 = arith.addf %add3A_598, %get3A_604 : vector<16xf32>
      %add3A_606 = arith.constant 7 : i32
      %add3A_607 = arith.addi %mul3A_186, %add3A_606 : i32
      %get3A_608 = arith.index_cast %add3A_607 : i32 to index
      %get3A_609 = arith.constant 80 : index
      %get3A_610 = tpu.vector_load %arg6[%get3A_608, %get3A_609] {strides = array<i32>} : memref<640x128xf32, #tpu.memory_space<vmem>>, vector<1x16xf32>,
      %get3A_611 = vector.shape_cast %get3A_610 : vector<1x16xf32> to vector<16xf32>
      %add3A_612 = arith.addf %add3A_605, %get3A_611 : vector<16xf32>
      %add3A_613 = arith.constant 8 : i32
      %add3A_614 = arith.addi %mul3A_186, %add3A_613 : i32
      %get3A_615 = arith.index_cast %add3A_614 : i32 to index
      %get3A_616 = arith.constant 80 : index
      %get3A_617 = tpu.vector_load %arg6[%get3A_615, %get3A_616] {strides = array<i32>} : memref<640x128xf32, #tpu.memory_space<vmem>>, vector<1x16xf32>,
      %get3A_618 = vector.shape_cast %get3A_617 : vector<1x16xf32> to vector<16xf32>
      %add3A_619 = arith.addf %add3A_612, %get3A_618 : vector<16xf32>
      %add3A_620 = arith.constant 9 : i32
      %add3A_621 = arith.addi %mul3A_186, %add3A_620 : i32
      %get3A_622 = arith.index_cast %add3A_621 : i32 to index
      %get3A_623 = arith.constant 80 : index
      %get3A_624 = tpu.vector_load %arg6[%get3A_622, %get3A_623] {strides = array<i32>} : memref<640x128xf32, #tpu.memory_space<vmem>>, vector<1x16xf32>,
      %get3A_625 = vector.shape_cast %get3A_624 : vector<1x16xf32> to vector<16xf32>
      %add3A_626 = arith.addf %add3A_619, %get3A_625 : vector<16xf32>
      %mul3A_627 = arith.constant 1.000000e-01 : f32
      %mul3A_628 = vector.broadcast %mul3A_627 : f32 to vector<16xf32>
      %mul3A_629 = arith.mulf %add3A_626, %mul3A_628 : vector<16xf32>
      %swap3A_630 = arith.index_cast %scan3A_184 : i32 to index
      %swap3A_631 = arith.constant 80 : index
      %swap3A_632 = tpu.vector_load %arg7[%swap3A_630, %swap3A_631] {strides = array<i32>} : memref<64x128xf32, #tpu.memory_space<vmem>>, vector<1x16xf32>,
      %swap3A_633 = vector.shape_cast %swap3A_632 : vector<1x16xf32> to vector<16xf32>
      %swap3A_634 = vector.shape_cast %mul3A_629 : vector<16xf32> to vector<1x16xf32>
      tpu.vector_store %arg7[%swap3A_630, %swap3A_631], %swap3A_634 {strides = array<i32>} : memref<64x128xf32, #tpu.memory_space<vmem>>, vector<1x16xf32>,
      %get3A_635 = arith.index_cast %mul3A_186 : i32 to index
      %get3A_636 = arith.constant 96 : index
      %get3A_637 = tpu.vector_load %arg6[%get3A_635, %get3A_636] {strides = array<i32>} : memref<640x128xf32, #tpu.memory_space<vmem>>, vector<1x16xf32>,
      %get3A_638 = vector.shape_cast %get3A_637 : vector<1x16xf32> to vector<16xf32>
      %add3A_639 = arith.constant 1 : i32
      %add3A_640 = arith.addi %mul3A_186, %add3A_639 : i32
      %get3A_641 = arith.index_cast %add3A_640 : i32 to index
      %get3A_642 = arith.constant 96 : index
      %get3A_643 = tpu.vector_load %arg6[%get3A_641, %get3A_642] {strides = array<i32>} : memref<640x128xf32, #tpu.memory_space<vmem>>, vector<1x16xf32>,
      %get3A_644 = vector.shape_cast %get3A_643 : vector<1x16xf32> to vector<16xf32>
      %add3A_645 = arith.addf %get3A_638, %get3A_644 : vector<16xf32>
      %add3A_646 = arith.constant 2 : i32
      %add3A_647 = arith.addi %mul3A_186, %add3A_646 : i32
      %get3A_648 = arith.index_cast %add3A_647 : i32 to index
      %get3A_649 = arith.constant 96 : index
      %get3A_650 = tpu.vector_load %arg6[%get3A_648, %get3A_649] {strides = array<i32>} : memref<640x128xf32, #tpu.memory_space<vmem>>, vector<1x16xf32>,
      %get3A_651 = vector.shape_cast %get3A_650 : vector<1x16xf32> to vector<16xf32>
      %add3A_652 = arith.addf %add3A_645, %get3A_651 : vector<16xf32>
      %add3A_653 = arith.constant 3 : i32
      %add3A_654 = arith.addi %mul3A_186, %add3A_653 : i32
      %get3A_655 = arith.index_cast %add3A_654 : i32 to index
      %get3A_656 = arith.constant 96 : index
      %get3A_657 = tpu.vector_load %arg6[%get3A_655, %get3A_656] {strides = array<i32>} : memref<640x128xf32, #tpu.memory_space<vmem>>, vector<1x16xf32>,
      %get3A_658 = vector.shape_cast %get3A_657 : vector<1x16xf32> to vector<16xf32>
      %add3A_659 = arith.addf %add3A_652, %get3A_658 : vector<16xf32>
      %add3A_660 = arith.constant 4 : i32
      %add3A_661 = arith.addi %mul3A_186, %add3A_660 : i32
      %get3A_662 = arith.index_cast %add3A_661 : i32 to index
      %get3A_663 = arith.constant 96 : index
      %get3A_664 = tpu.vector_load %arg6[%get3A_662, %get3A_663] {strides = array<i32>} : memref<640x128xf32, #tpu.memory_space<vmem>>, vector<1x16xf32>,
      %get3A_665 = vector.shape_cast %get3A_664 : vector<1x16xf32> to vector<16xf32>
      %add3A_666 = arith.addf %add3A_659, %get3A_665 : vector<16xf32>
      %add3A_667 = arith.constant 5 : i32
      %add3A_668 = arith.addi %mul3A_186, %add3A_667 : i32
      %get3A_669 = arith.index_cast %add3A_668 : i32 to index
      %get3A_670 = arith.constant 96 : index
      %get3A_671 = tpu.vector_load %arg6[%get3A_669, %get3A_670] {strides = array<i32>} : memref<640x128xf32, #tpu.memory_space<vmem>>, vector<1x16xf32>,
      %get3A_672 = vector.shape_cast %get3A_671 : vector<1x16xf32> to vector<16xf32>
      %add3A_673 = arith.addf %add3A_666, %get3A_672 : vector<16xf32>
      %add3A_674 = arith.constant 6 : i32
      %add3A_675 = arith.addi %mul3A_186, %add3A_674 : i32
      %get3A_676 = arith.index_cast %add3A_675 : i32 to index
      %get3A_677 = arith.constant 96 : index
      %get3A_678 = tpu.vector_load %arg6[%get3A_676, %get3A_677] {strides = array<i32>} : memref<640x128xf32, #tpu.memory_space<vmem>>, vector<1x16xf32>,
      %get3A_679 = vector.shape_cast %get3A_678 : vector<1x16xf32> to vector<16xf32>
      %add3A_680 = arith.addf %add3A_673, %get3A_679 : vector<16xf32>
      %add3A_681 = arith.constant 7 : i32
      %add3A_682 = arith.addi %mul3A_186, %add3A_681 : i32
      %get3A_683 = arith.index_cast %add3A_682 : i32 to index
      %get3A_684 = arith.constant 96 : index
      %get3A_685 = tpu.vector_load %arg6[%get3A_683, %get3A_684] {strides = array<i32>} : memref<640x128xf32, #tpu.memory_space<vmem>>, vector<1x16xf32>,
      %get3A_686 = vector.shape_cast %get3A_685 : vector<1x16xf32> to vector<16xf32>
      %add3A_687 = arith.addf %add3A_680, %get3A_686 : vector<16xf32>
      %add3A_688 = arith.constant 8 : i32
      %add3A_689 = arith.addi %mul3A_186, %add3A_688 : i32
      %get3A_690 = arith.index_cast %add3A_689 : i32 to index
      %get3A_691 = arith.constant 96 : index
      %get3A_692 = tpu.vector_load %arg6[%get3A_690, %get3A_691] {strides = array<i32>} : memref<640x128xf32, #tpu.memory_space<vmem>>, vector<1x16xf32>,
      %get3A_693 = vector.shape_cast %get3A_692 : vector<1x16xf32> to vector<16xf32>
      %add3A_694 = arith.addf %add3A_687, %get3A_693 : vector<16xf32>
      %add3A_695 = arith.constant 9 : i32
      %add3A_696 = arith.addi %mul3A_186, %add3A_695 : i32
      %get3A_697 = arith.index_cast %add3A_696 : i32 to index
      %get3A_698 = arith.constant 96 : index
      %get3A_699 = tpu.vector_load %arg6[%get3A_697, %get3A_698] {strides = array<i32>} : memref<640x128xf32, #tpu.memory_space<vmem>>, vector<1x16xf32>,
      %get3A_700 = vector.shape_cast %get3A_699 : vector<1x16xf32> to vector<16xf32>
      %add3A_701 = arith.addf %add3A_694, %get3A_700 : vector<16xf32>
      %mul3A_702 = arith.constant 1.000000e-01 : f32
      %mul3A_703 = vector.broadcast %mul3A_702 : f32 to vector<16xf32>
      %mul3A_704 = arith.mulf %add3A_701, %mul3A_703 : vector<16xf32>
      %swap3A_705 = arith.index_cast %scan3A_184 : i32 to index
      %swap3A_706 = arith.constant 96 : index
      %swap3A_707 = tpu.vector_load %arg7[%swap3A_705, %swap3A_706] {strides = array<i32>} : memref<64x128xf32, #tpu.memory_space<vmem>>, vector<1x16xf32>,
      %swap3A_708 = vector.shape_cast %swap3A_707 : vector<1x16xf32> to vector<16xf32>
      %swap3A_709 = vector.shape_cast %mul3A_704 : vector<16xf32> to vector<1x16xf32>
      tpu.vector_store %arg7[%swap3A_705, %swap3A_706], %swap3A_709 {strides = array<i32>} : memref<64x128xf32, #tpu.memory_space<vmem>>, vector<1x16xf32>,
      %get3A_710 = arith.index_cast %mul3A_186 : i32 to index
      %get3A_711 = arith.constant 112 : index
      %get3A_712 = tpu.vector_load %arg6[%get3A_710, %get3A_711] {strides = array<i32>} : memref<640x128xf32, #tpu.memory_space<vmem>>, vector<1x16xf32>,
      %get3A_713 = vector.shape_cast %get3A_712 : vector<1x16xf32> to vector<16xf32>
      %add3A_714 = arith.constant 1 : i32
      %add3A_715 = arith.addi %mul3A_186, %add3A_714 : i32
      %get3A_716 = arith.index_cast %add3A_715 : i32 to index
      %get3A_717 = arith.constant 112 : index
      %get3A_718 = tpu.vector_load %arg6[%get3A_716, %get3A_717] {strides = array<i32>} : memref<640x128xf32, #tpu.memory_space<vmem>>, vector<1x16xf32>,
      %get3A_719 = vector.shape_cast %get3A_718 : vector<1x16xf32> to vector<16xf32>
      %add3A_720 = arith.addf %get3A_713, %get3A_719 : vector<16xf32>
      %add3A_721 = arith.constant 2 : i32
      %add3A_722 = arith.addi %mul3A_186, %add3A_721 : i32
      %get3A_723 = arith.index_cast %add3A_722 : i32 to index
      %get3A_724 = arith.constant 112 : index
      %get3A_725 = tpu.vector_load %arg6[%get3A_723, %get3A_724] {strides = array<i32>} : memref<640x128xf32, #tpu.memory_space<vmem>>, vector<1x16xf32>,
      %get3A_726 = vector.shape_cast %get3A_725 : vector<1x16xf32> to vector<16xf32>
      %add3A_727 = arith.addf %add3A_720, %get3A_726 : vector<16xf32>
      %add3A_728 = arith.constant 3 : i32
      %add3A_729 = arith.addi %mul3A_186, %add3A_728 : i32
      %get3A_730 = arith.index_cast %add3A_729 : i32 to index
      %get3A_731 = arith.constant 112 : index
      %get3A_732 = tpu.vector_load %arg6[%get3A_730, %get3A_731] {strides = array<i32>} : memref<640x128xf32, #tpu.memory_space<vmem>>, vector<1x16xf32>,
      %get3A_733 = vector.shape_cast %get3A_732 : vector<1x16xf32> to vector<16xf32>
      %add3A_734 = arith.addf %add3A_727, %get3A_733 : vector<16xf32>
      %add3A_735 = arith.constant 4 : i32
      %add3A_736 = arith.addi %mul3A_186, %add3A_735 : i32
      %get3A_737 = arith.index_cast %add3A_736 : i32 to index
      %get3A_738 = arith.constant 112 : index
      %get3A_739 = tpu.vector_load %arg6[%get3A_737, %get3A_738] {strides = array<i32>} : memref<640x128xf32, #tpu.memory_space<vmem>>, vector<1x16xf32>,
      %get3A_740 = vector.shape_cast %get3A_739 : vector<1x16xf32> to vector<16xf32>
      %add3A_741 = arith.addf %add3A_734, %get3A_740 : vector<16xf32>
      %add3A_742 = arith.constant 5 : i32
      %add3A_743 = arith.addi %mul3A_186, %add3A_742 : i32
      %get3A_744 = arith.index_cast %add3A_743 : i32 to index
      %get3A_745 = arith.constant 112 : index
      %get3A_746 = tpu.vector_load %arg6[%get3A_744, %get3A_745] {strides = array<i32>} : memref<640x128xf32, #tpu.memory_space<vmem>>, vector<1x16xf32>,
      %get3A_747 = vector.shape_cast %get3A_746 : vector<1x16xf32> to vector<16xf32>
      %add3A_748 = arith.addf %add3A_741, %get3A_747 : vector<16xf32>
      %add3A_749 = arith.constant 6 : i32
      %add3A_750 = arith.addi %mul3A_186, %add3A_749 : i32
      %get3A_751 = arith.index_cast %add3A_750 : i32 to index
      %get3A_752 = arith.constant 112 : index
      %get3A_753 = tpu.vector_load %arg6[%get3A_751, %get3A_752] {strides = array<i32>} : memref<640x128xf32, #tpu.memory_space<vmem>>, vector<1x16xf32>,
      %get3A_754 = vector.shape_cast %get3A_753 : vector<1x16xf32> to vector<16xf32>
      %add3A_755 = arith.addf %add3A_748, %get3A_754 : vector<16xf32>
      %add3A_756 = arith.constant 7 : i32
      %add3A_757 = arith.addi %mul3A_186, %add3A_756 : i32
      %get3A_758 = arith.index_cast %add3A_757 : i32 to index
      %get3A_759 = arith.constant 112 : index
      %get3A_760 = tpu.vector_load %arg6[%get3A_758, %get3A_759] {strides = array<i32>} : memref<640x128xf32, #tpu.memory_space<vmem>>, vector<1x16xf32>,
      %get3A_761 = vector.shape_cast %get3A_760 : vector<1x16xf32> to vector<16xf32>
      %add3A_762 = arith.addf %add3A_755, %get3A_761 : vector<16xf32>
      %add3A_763 = arith.constant 8 : i32
      %add3A_764 = arith.addi %mul3A_186, %add3A_763 : i32
      %get3A_765 = arith.index_cast %add3A_764 : i32 to index
      %get3A_766 = arith.constant 112 : index
      %get3A_767 = tpu.vector_load %arg6[%get3A_765, %get3A_766] {strides = array<i32>} : memref<640x128xf32, #tpu.memory_space<vmem>>, vector<1x16xf32>,
      %get3A_768 = vector.shape_cast %get3A_767 : vector<1x16xf32> to vector<16xf32>
      %add3A_769 = arith.addf %add3A_762, %get3A_768 : vector<16xf32>
      %add3A_770 = arith.constant 9 : i32
      %add3A_771 = arith.addi %mul3A_186, %add3A_770 : i32
      %get3A_772 = arith.index_cast %add3A_771 : i32 to index
      %get3A_773 = arith.constant 112 : index
      %get3A_774 = tpu.vector_load %arg6[%get3A_772, %get3A_773] {strides = array<i32>} : memref<640x128xf32, #tpu.memory_space<vmem>>, vector<1x16xf32>,
      %get3A_775 = vector.shape_cast %get3A_774 : vector<1x16xf32> to vector<16xf32>
      %add3A_776 = arith.addf %add3A_769, %get3A_775 : vector<16xf32>
      %mul3A_777 = arith.constant 1.000000e-01 : f32
      %mul3A_778 = vector.broadcast %mul3A_777 : f32 to vector<16xf32>
      %mul3A_779 = arith.mulf %add3A_776, %mul3A_778 : vector<16xf32>
      %swap3A_780 = arith.index_cast %scan3A_184 : i32 to index
      %swap3A_781 = arith.constant 112 : index
      %swap3A_782 = tpu.vector_load %arg7[%swap3A_780, %swap3A_781] {strides = array<i32>} : memref<64x128xf32, #tpu.memory_space<vmem>>, vector<1x16xf32>,
      %swap3A_783 = vector.shape_cast %swap3A_782 : vector<1x16xf32> to vector<16xf32>
      %swap3A_784 = vector.shape_cast %mul3A_779 : vector<16xf32> to vector<1x16xf32>
      tpu.vector_store %arg7[%swap3A_780, %swap3A_781], %swap3A_784 {strides = array<i32>} : memref<64x128xf32, #tpu.memory_space<vmem>>, vector<1x16xf32>,
    }
    %scan3A_86 = arith.constant 64 : i32
    %mul3A_87 = arith.constant 128 : i32
    %mul3A_88 = arith.muli %add3A, %mul3A_87 : i32
    %add3A_89 = arith.constant 0 : i32
    %add3A_90 = arith.addi %mul3A_88, %add3A_89 : i32
    "tpu.region"() ({
      %run_scoped3A = tpu.sem_alloc : memref<!tpu.dma_semaphore, #tpu.memory_space<semaphore_mem>>
      %dma_start3A_184 = arith.constant 0 : i32
      %dma_start3A_185 = tpu.memref_slice %arg4[%add3A_90, %dma_start3A_184] : memref<4096x128xf32, #tpu.memory_space<hbm>> -> memref<64x128xf32, #tpu.memory_space<hbm>>
      %dma_start3A_186 = arith.constant 0 : i32
      %dma_start3A_187 = tpu.memref_slice %arg4[%add3A_90, %dma_start3A_186] : memref<4096x128xf32, #tpu.memory_space<hbm>> -> memref<64x128xf32, #tpu.memory_space<hbm>>
      tpu.enqueue_dma source(%arg7 : memref<64x128xf32, #tpu.memory_space<vmem>>) target(%dma_start3A_187 : memref<64x128xf32, #tpu.memory_space<hbm>>) target_semaphore(%run_scoped3A : memref<!tpu.dma_semaphore, #tpu.memory_space<semaphore_mem>>)
      %dma_wait3A_188 = arith.constant 0 : i32
      %dma_wait3A_189 = tpu.memref_slice %arg4[%add3A_90, %dma_wait3A_188] : memref<4096x128xf32, #tpu.memory_space<hbm>> -> memref<64x128xf32, #tpu.memory_space<hbm>>
      %dma_wait3A_190 = arith.constant 0 : i32
      %dma_wait3A_191 = tpu.memref_slice %arg4[%add3A_90, %dma_wait3A_190] : memref<4096x128xf32, #tpu.memory_space<hbm>> -> memref<64x128xf32, #tpu.memory_space<hbm>>
      tpu.wait_dma2 semaphore(%run_scoped3A : memref<!tpu.dma_semaphore, #tpu.memory_space<semaphore_mem>>) src(%arg7 : memref<64x128xf32, #tpu.memory_space<vmem>>) dst(%dma_wait3A_191 : memref<64x128xf32, #tpu.memory_space<hbm>>)
      tpu.yield
    }) : () -> ()
    %mul3A_91 = arith.constant 1280 : i32
    %mul3A_92 = arith.muli %add3A, %mul3A_91 : i32
    %add3A_93 = arith.constant 640 : i32
    %add3A_94 = arith.addi %mul3A_92, %add3A_93 : i32
    "tpu.region"() ({
      %run_scoped3A = tpu.sem_alloc : memref<!tpu.dma_semaphore, #tpu.memory_space<semaphore_mem>>
      %dma_start3A_184 = tpu.memref_slice %arg2[%add3A_94] : memref<40960xi32, #tpu.memory_space<hbm>> -> memref<640xi32, #tpu.memory_space<hbm>>
      %dma_start3A_185 = tpu.memref_slice %arg2[%add3A_94] : memref<40960xi32, #tpu.memory_space<hbm>> -> memref<640xi32, #tpu.memory_space<hbm>>
      tpu.enqueue_dma source(%dma_start3A_185 : memref<640xi32, #tpu.memory_space<hbm>>) target(%arg5 : memref<640xi32, #tpu.memory_space<vmem>>) target_semaphore(%run_scoped3A : memref<!tpu.dma_semaphore, #tpu.memory_space<semaphore_mem>>)
      %dma_wait3A_186 = tpu.memref_slice %arg2[%add3A_94] : memref<40960xi32, #tpu.memory_space<hbm>> -> memref<640xi32, #tpu.memory_space<hbm>>
      %dma_wait3A_187 = tpu.memref_slice %arg2[%add3A_94] : memref<40960xi32, #tpu.memory_space<hbm>> -> memref<640xi32, #tpu.memory_space<hbm>>
      tpu.wait_dma2 semaphore(%run_scoped3A : memref<!tpu.dma_semaphore, #tpu.memory_space<semaphore_mem>>) src(%dma_wait3A_187 : memref<640xi32, #tpu.memory_space<hbm>>) dst(%arg5 : memref<640xi32, #tpu.memory_space<vmem>>)
      tpu.yield
    }) : () -> ()
    %dma_start3A_95 = arith.constant 0 : i32
    %dma_start3A_96 = arith.constant 0 : i32
    %dma_start3A_97 = tpu.memref_slice %arg6[%dma_start3A_95, %dma_start3A_96] : memref<640x128xf32, #tpu.memory_space<vmem>> -> memref<128x128xf32, #tpu.memory_space<vmem>>
    %dma_start3A_98 = arith.constant 0 : i32
    %dma_start3A_99 = tpu.memref_slice %arg5[%dma_start3A_98] : memref<640xi32, #tpu.memory_space<vmem>> -> memref<128xi32, #tpu.memory_space<vmem>>
    %dma_start3A_100 = arith.constant 0 : i32
    %dma_start3A_101 = arith.constant 0 : i32
    %dma_start3A_102 = tpu.memref_slice %arg3[%dma_start3A_100, %dma_start3A_101] : memref<100000x128xf32, #tpu.memory_space<hbm>> -> memref<100000x128xf32, #tpu.memory_space<hbm>>
    tpu.enqueue_indirect_dma source(%dma_start3A_102 : memref<100000x128xf32, #tpu.memory_space<hbm>>) target(%dma_start3A_97 : memref<128x128xf32, #tpu.memory_space<vmem>>) offsets(%dma_start3A_99 : memref<128xi32, #tpu.memory_space<vmem>>) semaphore(%arg8 : memref<!tpu.dma_semaphore, #tpu.memory_space<semaphore_mem>>)
    %dma_start3A_103 = arith.constant 128 : i32
    %dma_start3A_104 = arith.constant 0 : i32
    %dma_start3A_105 = tpu.memref_slice %arg6[%dma_start3A_103, %dma_start3A_104] : memref<640x128xf32, #tpu.memory_space<vmem>> -> memref<128x128xf32, #tpu.memory_space<vmem>>
    %dma_start3A_106 = arith.constant 128 : i32
    %dma_start3A_107 = tpu.memref_slice %arg5[%dma_start3A_106] : memref<640xi32, #tpu.memory_space<vmem>> -> memref<128xi32, #tpu.memory_space<vmem>>
    %dma_start3A_108 = arith.constant 0 : i32
    %dma_start3A_109 = arith.constant 0 : i32
    %dma_start3A_110 = tpu.memref_slice %arg3[%dma_start3A_108, %dma_start3A_109] : memref<100000x128xf32, #tpu.memory_space<hbm>> -> memref<100000x128xf32, #tpu.memory_space<hbm>>
    tpu.enqueue_indirect_dma source(%dma_start3A_110 : memref<100000x128xf32, #tpu.memory_space<hbm>>) target(%dma_start3A_105 : memref<128x128xf32, #tpu.memory_space<vmem>>) offsets(%dma_start3A_107 : memref<128xi32, #tpu.memory_space<vmem>>) semaphore(%arg8 : memref<!tpu.dma_semaphore, #tpu.memory_space<semaphore_mem>>)
    %dma_start3A_111 = arith.constant 256 : i32
    %dma_start3A_112 = arith.constant 0 : i32
    %dma_start3A_113 = tpu.memref_slice %arg6[%dma_start3A_111, %dma_start3A_112] : memref<640x128xf32, #tpu.memory_space<vmem>> -> memref<128x128xf32, #tpu.memory_space<vmem>>
    %dma_start3A_114 = arith.constant 256 : i32
    %dma_start3A_115 = tpu.memref_slice %arg5[%dma_start3A_114] : memref<640xi32, #tpu.memory_space<vmem>> -> memref<128xi32, #tpu.memory_space<vmem>>
    %dma_start3A_116 = arith.constant 0 : i32
    %dma_start3A_117 = arith.constant 0 : i32
    %dma_start3A_118 = tpu.memref_slice %arg3[%dma_start3A_116, %dma_start3A_117] : memref<100000x128xf32, #tpu.memory_space<hbm>> -> memref<100000x128xf32, #tpu.memory_space<hbm>>
    tpu.enqueue_indirect_dma source(%dma_start3A_118 : memref<100000x128xf32, #tpu.memory_space<hbm>>) target(%dma_start3A_113 : memref<128x128xf32, #tpu.memory_space<vmem>>) offsets(%dma_start3A_115 : memref<128xi32, #tpu.memory_space<vmem>>) semaphore(%arg8 : memref<!tpu.dma_semaphore, #tpu.memory_space<semaphore_mem>>)
    %dma_start3A_119 = arith.constant 384 : i32
    %dma_start3A_120 = arith.constant 0 : i32
    %dma_start3A_121 = tpu.memref_slice %arg6[%dma_start3A_119, %dma_start3A_120] : memref<640x128xf32, #tpu.memory_space<vmem>> -> memref<128x128xf32, #tpu.memory_space<vmem>>
    %dma_start3A_122 = arith.constant 384 : i32
    %dma_start3A_123 = tpu.memref_slice %arg5[%dma_start3A_122] : memref<640xi32, #tpu.memory_space<vmem>> -> memref<128xi32, #tpu.memory_space<vmem>>
    %dma_start3A_124 = arith.constant 0 : i32
    %dma_start3A_125 = arith.constant 0 : i32
    %dma_start3A_126 = tpu.memref_slice %arg3[%dma_start3A_124, %dma_start3A_125] : memref<100000x128xf32, #tpu.memory_space<hbm>> -> memref<100000x128xf32, #tpu.memory_space<hbm>>
    tpu.enqueue_indirect_dma source(%dma_start3A_126 : memref<100000x128xf32, #tpu.memory_space<hbm>>) target(%dma_start3A_121 : memref<128x128xf32, #tpu.memory_space<vmem>>) offsets(%dma_start3A_123 : memref<128xi32, #tpu.memory_space<vmem>>) semaphore(%arg8 : memref<!tpu.dma_semaphore, #tpu.memory_space<semaphore_mem>>)
    %dma_start3A_127 = arith.constant 512 : i32
    %dma_start3A_128 = arith.constant 0 : i32
    %dma_start3A_129 = tpu.memref_slice %arg6[%dma_start3A_127, %dma_start3A_128] : memref<640x128xf32, #tpu.memory_space<vmem>> -> memref<128x128xf32, #tpu.memory_space<vmem>>
    %dma_start3A_130 = arith.constant 512 : i32
    %dma_start3A_131 = tpu.memref_slice %arg5[%dma_start3A_130] : memref<640xi32, #tpu.memory_space<vmem>> -> memref<128xi32, #tpu.memory_space<vmem>>
    %dma_start3A_132 = arith.constant 0 : i32
    %dma_start3A_133 = arith.constant 0 : i32
    %dma_start3A_134 = tpu.memref_slice %arg3[%dma_start3A_132, %dma_start3A_133] : memref<100000x128xf32, #tpu.memory_space<hbm>> -> memref<100000x128xf32, #tpu.memory_space<hbm>>
    tpu.enqueue_indirect_dma source(%dma_start3A_134 : memref<100000x128xf32, #tpu.memory_space<hbm>>) target(%dma_start3A_129 : memref<128x128xf32, #tpu.memory_space<vmem>>) offsets(%dma_start3A_131 : memref<128xi32, #tpu.memory_space<vmem>>) semaphore(%arg8 : memref<!tpu.dma_semaphore, #tpu.memory_space<semaphore_mem>>)
    %dma_wait3A_135 = arith.constant 0 : i32
    %dma_wait3A_136 = arith.constant 0 : i32
    %dma_wait3A_137 = tpu.memref_slice %arg6[%dma_wait3A_135, %dma_wait3A_136] : memref<640x128xf32, #tpu.memory_space<vmem>> -> memref<128x128xf32, #tpu.memory_space<vmem>>
    %dma_wait3A_138 = arith.constant 0 : i32
    %dma_wait3A_139 = tpu.memref_slice %arg5[%dma_wait3A_138] : memref<640xi32, #tpu.memory_space<vmem>> -> memref<128xi32, #tpu.memory_space<vmem>>
    %dma_wait3A_140 = arith.constant 0 : i32
    %dma_wait3A_141 = arith.constant 0 : i32
    %dma_wait3A_142 = tpu.memref_slice %arg3[%dma_wait3A_140, %dma_wait3A_141] : memref<100000x128xf32, #tpu.memory_space<hbm>> -> memref<100000x128xf32, #tpu.memory_space<hbm>>
    tpu.wait_indirect_dma semaphore(%arg8 : memref<!tpu.dma_semaphore, #tpu.memory_space<semaphore_mem>>) src(%dma_wait3A_142 : memref<100000x128xf32, #tpu.memory_space<hbm>>) dst(%dma_wait3A_137 : memref<128x128xf32, #tpu.memory_space<vmem>>)
    %dma_wait3A_143 = arith.constant 128 : i32
    %dma_wait3A_144 = arith.constant 0 : i32
    %dma_wait3A_145 = tpu.memref_slice %arg6[%dma_wait3A_143, %dma_wait3A_144] : memref<640x128xf32, #tpu.memory_space<vmem>> -> memref<128x128xf32, #tpu.memory_space<vmem>>
    %dma_wait3A_146 = arith.constant 128 : i32
    %dma_wait3A_147 = tpu.memref_slice %arg5[%dma_wait3A_146] : memref<640xi32, #tpu.memory_space<vmem>> -> memref<128xi32, #tpu.memory_space<vmem>>
    %dma_wait3A_148 = arith.constant 0 : i32
    %dma_wait3A_149 = arith.constant 0 : i32
    %dma_wait3A_150 = tpu.memref_slice %arg3[%dma_wait3A_148, %dma_wait3A_149] : memref<100000x128xf32, #tpu.memory_space<hbm>> -> memref<100000x128xf32, #tpu.memory_space<hbm>>
    tpu.wait_indirect_dma semaphore(%arg8 : memref<!tpu.dma_semaphore, #tpu.memory_space<semaphore_mem>>) src(%dma_wait3A_150 : memref<100000x128xf32, #tpu.memory_space<hbm>>) dst(%dma_wait3A_145 : memref<128x128xf32, #tpu.memory_space<vmem>>)
    %dma_wait3A_151 = arith.constant 256 : i32
    %dma_wait3A_152 = arith.constant 0 : i32
    %dma_wait3A_153 = tpu.memref_slice %arg6[%dma_wait3A_151, %dma_wait3A_152] : memref<640x128xf32, #tpu.memory_space<vmem>> -> memref<128x128xf32, #tpu.memory_space<vmem>>
    %dma_wait3A_154 = arith.constant 256 : i32
    %dma_wait3A_155 = tpu.memref_slice %arg5[%dma_wait3A_154] : memref<640xi32, #tpu.memory_space<vmem>> -> memref<128xi32, #tpu.memory_space<vmem>>
    %dma_wait3A_156 = arith.constant 0 : i32
    %dma_wait3A_157 = arith.constant 0 : i32
    %dma_wait3A_158 = tpu.memref_slice %arg3[%dma_wait3A_156, %dma_wait3A_157] : memref<100000x128xf32, #tpu.memory_space<hbm>> -> memref<100000x128xf32, #tpu.memory_space<hbm>>
    tpu.wait_indirect_dma semaphore(%arg8 : memref<!tpu.dma_semaphore, #tpu.memory_space<semaphore_mem>>) src(%dma_wait3A_158 : memref<100000x128xf32, #tpu.memory_space<hbm>>) dst(%dma_wait3A_153 : memref<128x128xf32, #tpu.memory_space<vmem>>)
    %dma_wait3A_159 = arith.constant 384 : i32
    %dma_wait3A_160 = arith.constant 0 : i32
    %dma_wait3A_161 = tpu.memref_slice %arg6[%dma_wait3A_159, %dma_wait3A_160] : memref<640x128xf32, #tpu.memory_space<vmem>> -> memref<128x128xf32, #tpu.memory_space<vmem>>
    %dma_wait3A_162 = arith.constant 384 : i32
    %dma_wait3A_163 = tpu.memref_slice %arg5[%dma_wait3A_162] : memref<640xi32, #tpu.memory_space<vmem>> -> memref<128xi32, #tpu.memory_space<vmem>>
    %dma_wait3A_164 = arith.constant 0 : i32
    %dma_wait3A_165 = arith.constant 0 : i32
    %dma_wait3A_166 = tpu.memref_slice %arg3[%dma_wait3A_164, %dma_wait3A_165] : memref<100000x128xf32, #tpu.memory_space<hbm>> -> memref<100000x128xf32, #tpu.memory_space<hbm>>
    tpu.wait_indirect_dma semaphore(%arg8 : memref<!tpu.dma_semaphore, #tpu.memory_space<semaphore_mem>>) src(%dma_wait3A_166 : memref<100000x128xf32, #tpu.memory_space<hbm>>) dst(%dma_wait3A_161 : memref<128x128xf32, #tpu.memory_space<vmem>>)
    %dma_wait3A_167 = arith.constant 512 : i32
    %dma_wait3A_168 = arith.constant 0 : i32
    %dma_wait3A_169 = tpu.memref_slice %arg6[%dma_wait3A_167, %dma_wait3A_168] : memref<640x128xf32, #tpu.memory_space<vmem>> -> memref<128x128xf32, #tpu.memory_space<vmem>>
    %dma_wait3A_170 = arith.constant 512 : i32
    %dma_wait3A_171 = tpu.memref_slice %arg5[%dma_wait3A_170] : memref<640xi32, #tpu.memory_space<vmem>> -> memref<128xi32, #tpu.memory_space<vmem>>
    %dma_wait3A_172 = arith.constant 0 : i32
    %dma_wait3A_173 = arith.constant 0 : i32
    %dma_wait3A_174 = tpu.memref_slice %arg3[%dma_wait3A_172, %dma_wait3A_173] : memref<100000x128xf32, #tpu.memory_space<hbm>> -> memref<100000x128xf32, #tpu.memory_space<hbm>>
    tpu.wait_indirect_dma semaphore(%arg8 : memref<!tpu.dma_semaphore, #tpu.memory_space<semaphore_mem>>) src(%dma_wait3A_174 : memref<100000x128xf32, #tpu.memory_space<hbm>>) dst(%dma_wait3A_169 : memref<128x128xf32, #tpu.memory_space<vmem>>)
    %scan3A_175 = arith.constant 0 : i32
    %scan3A_176 = arith.constant 64 : i32
    %scan3A_177 = arith.addi %scan3A_175, %scan3A_176 : i32
    %scan3A_178 = arith.constant 1 : i32
    scf.for %scan3A_184 = %scan3A_175 to %scan3A_177 step %scan3A_178  : i32 {
      %mul3A_185 = arith.constant 10 : i32
      %mul3A_186 = arith.muli %scan3A_184, %mul3A_185 : i32
      %get3A = arith.index_cast %mul3A_186 : i32 to index
      %get3A_187 = arith.constant 0 : index
      %get3A_188 = tpu.vector_load %arg6[%get3A, %get3A_187] {strides = array<i32>} : memref<640x128xf32, #tpu.memory_space<vmem>>, vector<1x16xf32>,
      %get3A_189 = vector.shape_cast %get3A_188 : vector<1x16xf32> to vector<16xf32>
      %add3A_190 = arith.constant 1 : i32
      %add3A_191 = arith.addi %mul3A_186, %add3A_190 : i32
      %get3A_192 = arith.index_cast %add3A_191 : i32 to index
      %get3A_193 = arith.constant 0 : index
      %get3A_194 = tpu.vector_load %arg6[%get3A_192, %get3A_193] {strides = array<i32>} : memref<640x128xf32, #tpu.memory_space<vmem>>, vector<1x16xf32>,
      %get3A_195 = vector.shape_cast %get3A_194 : vector<1x16xf32> to vector<16xf32>
      %add3A_196 = arith.addf %get3A_189, %get3A_195 : vector<16xf32>
      %add3A_197 = arith.constant 2 : i32
      %add3A_198 = arith.addi %mul3A_186, %add3A_197 : i32
      %get3A_199 = arith.index_cast %add3A_198 : i32 to index
      %get3A_200 = arith.constant 0 : index
      %get3A_201 = tpu.vector_load %arg6[%get3A_199, %get3A_200] {strides = array<i32>} : memref<640x128xf32, #tpu.memory_space<vmem>>, vector<1x16xf32>,
      %get3A_202 = vector.shape_cast %get3A_201 : vector<1x16xf32> to vector<16xf32>
      %add3A_203 = arith.addf %add3A_196, %get3A_202 : vector<16xf32>
      %add3A_204 = arith.constant 3 : i32
      %add3A_205 = arith.addi %mul3A_186, %add3A_204 : i32
      %get3A_206 = arith.index_cast %add3A_205 : i32 to index
      %get3A_207 = arith.constant 0 : index
      %get3A_208 = tpu.vector_load %arg6[%get3A_206, %get3A_207] {strides = array<i32>} : memref<640x128xf32, #tpu.memory_space<vmem>>, vector<1x16xf32>,
      %get3A_209 = vector.shape_cast %get3A_208 : vector<1x16xf32> to vector<16xf32>
      %add3A_210 = arith.addf %add3A_203, %get3A_209 : vector<16xf32>
      %add3A_211 = arith.constant 4 : i32
      %add3A_212 = arith.addi %mul3A_186, %add3A_211 : i32
      %get3A_213 = arith.index_cast %add3A_212 : i32 to index
      %get3A_214 = arith.constant 0 : index
      %get3A_215 = tpu.vector_load %arg6[%get3A_213, %get3A_214] {strides = array<i32>} : memref<640x128xf32, #tpu.memory_space<vmem>>, vector<1x16xf32>,
      %get3A_216 = vector.shape_cast %get3A_215 : vector<1x16xf32> to vector<16xf32>
      %add3A_217 = arith.addf %add3A_210, %get3A_216 : vector<16xf32>
      %add3A_218 = arith.constant 5 : i32
      %add3A_219 = arith.addi %mul3A_186, %add3A_218 : i32
      %get3A_220 = arith.index_cast %add3A_219 : i32 to index
      %get3A_221 = arith.constant 0 : index
      %get3A_222 = tpu.vector_load %arg6[%get3A_220, %get3A_221] {strides = array<i32>} : memref<640x128xf32, #tpu.memory_space<vmem>>, vector<1x16xf32>,
      %get3A_223 = vector.shape_cast %get3A_222 : vector<1x16xf32> to vector<16xf32>
      %add3A_224 = arith.addf %add3A_217, %get3A_223 : vector<16xf32>
      %add3A_225 = arith.constant 6 : i32
      %add3A_226 = arith.addi %mul3A_186, %add3A_225 : i32
      %get3A_227 = arith.index_cast %add3A_226 : i32 to index
      %get3A_228 = arith.constant 0 : index
      %get3A_229 = tpu.vector_load %arg6[%get3A_227, %get3A_228] {strides = array<i32>} : memref<640x128xf32, #tpu.memory_space<vmem>>, vector<1x16xf32>,
      %get3A_230 = vector.shape_cast %get3A_229 : vector<1x16xf32> to vector<16xf32>
      %add3A_231 = arith.addf %add3A_224, %get3A_230 : vector<16xf32>
      %add3A_232 = arith.constant 7 : i32
      %add3A_233 = arith.addi %mul3A_186, %add3A_232 : i32
      %get3A_234 = arith.index_cast %add3A_233 : i32 to index
      %get3A_235 = arith.constant 0 : index
      %get3A_236 = tpu.vector_load %arg6[%get3A_234, %get3A_235] {strides = array<i32>} : memref<640x128xf32, #tpu.memory_space<vmem>>, vector<1x16xf32>,
      %get3A_237 = vector.shape_cast %get3A_236 : vector<1x16xf32> to vector<16xf32>
      %add3A_238 = arith.addf %add3A_231, %get3A_237 : vector<16xf32>
      %add3A_239 = arith.constant 8 : i32
      %add3A_240 = arith.addi %mul3A_186, %add3A_239 : i32
      %get3A_241 = arith.index_cast %add3A_240 : i32 to index
      %get3A_242 = arith.constant 0 : index
      %get3A_243 = tpu.vector_load %arg6[%get3A_241, %get3A_242] {strides = array<i32>} : memref<640x128xf32, #tpu.memory_space<vmem>>, vector<1x16xf32>,
      %get3A_244 = vector.shape_cast %get3A_243 : vector<1x16xf32> to vector<16xf32>
      %add3A_245 = arith.addf %add3A_238, %get3A_244 : vector<16xf32>
      %add3A_246 = arith.constant 9 : i32
      %add3A_247 = arith.addi %mul3A_186, %add3A_246 : i32
      %get3A_248 = arith.index_cast %add3A_247 : i32 to index
      %get3A_249 = arith.constant 0 : index
      %get3A_250 = tpu.vector_load %arg6[%get3A_248, %get3A_249] {strides = array<i32>} : memref<640x128xf32, #tpu.memory_space<vmem>>, vector<1x16xf32>,
      %get3A_251 = vector.shape_cast %get3A_250 : vector<1x16xf32> to vector<16xf32>
      %add3A_252 = arith.addf %add3A_245, %get3A_251 : vector<16xf32>
      %mul3A_253 = arith.constant 1.000000e-01 : f32
      %mul3A_254 = vector.broadcast %mul3A_253 : f32 to vector<16xf32>
      %mul3A_255 = arith.mulf %add3A_252, %mul3A_254 : vector<16xf32>
      %swap3A = arith.index_cast %scan3A_184 : i32 to index
      %swap3A_256 = arith.constant 0 : index
      %swap3A_257 = tpu.vector_load %arg7[%swap3A, %swap3A_256] {strides = array<i32>} : memref<64x128xf32, #tpu.memory_space<vmem>>, vector<1x16xf32>,
      %swap3A_258 = vector.shape_cast %swap3A_257 : vector<1x16xf32> to vector<16xf32>
      %swap3A_259 = vector.shape_cast %mul3A_255 : vector<16xf32> to vector<1x16xf32>
      tpu.vector_store %arg7[%swap3A, %swap3A_256], %swap3A_259 {strides = array<i32>} : memref<64x128xf32, #tpu.memory_space<vmem>>, vector<1x16xf32>,
      %get3A_260 = arith.index_cast %mul3A_186 : i32 to index
      %get3A_261 = arith.constant 16 : index
      %get3A_262 = tpu.vector_load %arg6[%get3A_260, %get3A_261] {strides = array<i32>} : memref<640x128xf32, #tpu.memory_space<vmem>>, vector<1x16xf32>,
      %get3A_263 = vector.shape_cast %get3A_262 : vector<1x16xf32> to vector<16xf32>
      %add3A_264 = arith.constant 1 : i32
      %add3A_265 = arith.addi %mul3A_186, %add3A_264 : i32
      %get3A_266 = arith.index_cast %add3A_265 : i32 to index
      %get3A_267 = arith.constant 16 : index
      %get3A_268 = tpu.vector_load %arg6[%get3A_266, %get3A_267] {strides = array<i32>} : memref<640x128xf32, #tpu.memory_space<vmem>>, vector<1x16xf32>,
      %get3A_269 = vector.shape_cast %get3A_268 : vector<1x16xf32> to vector<16xf32>
      %add3A_270 = arith.addf %get3A_263, %get3A_269 : vector<16xf32>
      %add3A_271 = arith.constant 2 : i32
      %add3A_272 = arith.addi %mul3A_186, %add3A_271 : i32
      %get3A_273 = arith.index_cast %add3A_272 : i32 to index
      %get3A_274 = arith.constant 16 : index
      %get3A_275 = tpu.vector_load %arg6[%get3A_273, %get3A_274] {strides = array<i32>} : memref<640x128xf32, #tpu.memory_space<vmem>>, vector<1x16xf32>,
      %get3A_276 = vector.shape_cast %get3A_275 : vector<1x16xf32> to vector<16xf32>
      %add3A_277 = arith.addf %add3A_270, %get3A_276 : vector<16xf32>
      %add3A_278 = arith.constant 3 : i32
      %add3A_279 = arith.addi %mul3A_186, %add3A_278 : i32
      %get3A_280 = arith.index_cast %add3A_279 : i32 to index
      %get3A_281 = arith.constant 16 : index
      %get3A_282 = tpu.vector_load %arg6[%get3A_280, %get3A_281] {strides = array<i32>} : memref<640x128xf32, #tpu.memory_space<vmem>>, vector<1x16xf32>,
      %get3A_283 = vector.shape_cast %get3A_282 : vector<1x16xf32> to vector<16xf32>
      %add3A_284 = arith.addf %add3A_277, %get3A_283 : vector<16xf32>
      %add3A_285 = arith.constant 4 : i32
      %add3A_286 = arith.addi %mul3A_186, %add3A_285 : i32
      %get3A_287 = arith.index_cast %add3A_286 : i32 to index
      %get3A_288 = arith.constant 16 : index
      %get3A_289 = tpu.vector_load %arg6[%get3A_287, %get3A_288] {strides = array<i32>} : memref<640x128xf32, #tpu.memory_space<vmem>>, vector<1x16xf32>,
      %get3A_290 = vector.shape_cast %get3A_289 : vector<1x16xf32> to vector<16xf32>
      %add3A_291 = arith.addf %add3A_284, %get3A_290 : vector<16xf32>
      %add3A_292 = arith.constant 5 : i32
      %add3A_293 = arith.addi %mul3A_186, %add3A_292 : i32
      %get3A_294 = arith.index_cast %add3A_293 : i32 to index
      %get3A_295 = arith.constant 16 : index
      %get3A_296 = tpu.vector_load %arg6[%get3A_294, %get3A_295] {strides = array<i32>} : memref<640x128xf32, #tpu.memory_space<vmem>>, vector<1x16xf32>,
      %get3A_297 = vector.shape_cast %get3A_296 : vector<1x16xf32> to vector<16xf32>
      %add3A_298 = arith.addf %add3A_291, %get3A_297 : vector<16xf32>
      %add3A_299 = arith.constant 6 : i32
      %add3A_300 = arith.addi %mul3A_186, %add3A_299 : i32
      %get3A_301 = arith.index_cast %add3A_300 : i32 to index
      %get3A_302 = arith.constant 16 : index
      %get3A_303 = tpu.vector_load %arg6[%get3A_301, %get3A_302] {strides = array<i32>} : memref<640x128xf32, #tpu.memory_space<vmem>>, vector<1x16xf32>,
      %get3A_304 = vector.shape_cast %get3A_303 : vector<1x16xf32> to vector<16xf32>
      %add3A_305 = arith.addf %add3A_298, %get3A_304 : vector<16xf32>
      %add3A_306 = arith.constant 7 : i32
      %add3A_307 = arith.addi %mul3A_186, %add3A_306 : i32
      %get3A_308 = arith.index_cast %add3A_307 : i32 to index
      %get3A_309 = arith.constant 16 : index
      %get3A_310 = tpu.vector_load %arg6[%get3A_308, %get3A_309] {strides = array<i32>} : memref<640x128xf32, #tpu.memory_space<vmem>>, vector<1x16xf32>,
      %get3A_311 = vector.shape_cast %get3A_310 : vector<1x16xf32> to vector<16xf32>
      %add3A_312 = arith.addf %add3A_305, %get3A_311 : vector<16xf32>
      %add3A_313 = arith.constant 8 : i32
      %add3A_314 = arith.addi %mul3A_186, %add3A_313 : i32
      %get3A_315 = arith.index_cast %add3A_314 : i32 to index
      %get3A_316 = arith.constant 16 : index
      %get3A_317 = tpu.vector_load %arg6[%get3A_315, %get3A_316] {strides = array<i32>} : memref<640x128xf32, #tpu.memory_space<vmem>>, vector<1x16xf32>,
      %get3A_318 = vector.shape_cast %get3A_317 : vector<1x16xf32> to vector<16xf32>
      %add3A_319 = arith.addf %add3A_312, %get3A_318 : vector<16xf32>
      %add3A_320 = arith.constant 9 : i32
      %add3A_321 = arith.addi %mul3A_186, %add3A_320 : i32
      %get3A_322 = arith.index_cast %add3A_321 : i32 to index
      %get3A_323 = arith.constant 16 : index
      %get3A_324 = tpu.vector_load %arg6[%get3A_322, %get3A_323] {strides = array<i32>} : memref<640x128xf32, #tpu.memory_space<vmem>>, vector<1x16xf32>,
      %get3A_325 = vector.shape_cast %get3A_324 : vector<1x16xf32> to vector<16xf32>
      %add3A_326 = arith.addf %add3A_319, %get3A_325 : vector<16xf32>
      %mul3A_327 = arith.constant 1.000000e-01 : f32
      %mul3A_328 = vector.broadcast %mul3A_327 : f32 to vector<16xf32>
      %mul3A_329 = arith.mulf %add3A_326, %mul3A_328 : vector<16xf32>
      %swap3A_330 = arith.index_cast %scan3A_184 : i32 to index
      %swap3A_331 = arith.constant 16 : index
      %swap3A_332 = tpu.vector_load %arg7[%swap3A_330, %swap3A_331] {strides = array<i32>} : memref<64x128xf32, #tpu.memory_space<vmem>>, vector<1x16xf32>,
      %swap3A_333 = vector.shape_cast %swap3A_332 : vector<1x16xf32> to vector<16xf32>
      %swap3A_334 = vector.shape_cast %mul3A_329 : vector<16xf32> to vector<1x16xf32>
      tpu.vector_store %arg7[%swap3A_330, %swap3A_331], %swap3A_334 {strides = array<i32>} : memref<64x128xf32, #tpu.memory_space<vmem>>, vector<1x16xf32>,
      %get3A_335 = arith.index_cast %mul3A_186 : i32 to index
      %get3A_336 = arith.constant 32 : index
      %get3A_337 = tpu.vector_load %arg6[%get3A_335, %get3A_336] {strides = array<i32>} : memref<640x128xf32, #tpu.memory_space<vmem>>, vector<1x16xf32>,
      %get3A_338 = vector.shape_cast %get3A_337 : vector<1x16xf32> to vector<16xf32>
      %add3A_339 = arith.constant 1 : i32
      %add3A_340 = arith.addi %mul3A_186, %add3A_339 : i32
      %get3A_341 = arith.index_cast %add3A_340 : i32 to index
      %get3A_342 = arith.constant 32 : index
      %get3A_343 = tpu.vector_load %arg6[%get3A_341, %get3A_342] {strides = array<i32>} : memref<640x128xf32, #tpu.memory_space<vmem>>, vector<1x16xf32>,
      %get3A_344 = vector.shape_cast %get3A_343 : vector<1x16xf32> to vector<16xf32>
      %add3A_345 = arith.addf %get3A_338, %get3A_344 : vector<16xf32>
      %add3A_346 = arith.constant 2 : i32
      %add3A_347 = arith.addi %mul3A_186, %add3A_346 : i32
      %get3A_348 = arith.index_cast %add3A_347 : i32 to index
      %get3A_349 = arith.constant 32 : index
      %get3A_350 = tpu.vector_load %arg6[%get3A_348, %get3A_349] {strides = array<i32>} : memref<640x128xf32, #tpu.memory_space<vmem>>, vector<1x16xf32>,
      %get3A_351 = vector.shape_cast %get3A_350 : vector<1x16xf32> to vector<16xf32>
      %add3A_352 = arith.addf %add3A_345, %get3A_351 : vector<16xf32>
      %add3A_353 = arith.constant 3 : i32
      %add3A_354 = arith.addi %mul3A_186, %add3A_353 : i32
      %get3A_355 = arith.index_cast %add3A_354 : i32 to index
      %get3A_356 = arith.constant 32 : index
      %get3A_357 = tpu.vector_load %arg6[%get3A_355, %get3A_356] {strides = array<i32>} : memref<640x128xf32, #tpu.memory_space<vmem>>, vector<1x16xf32>,
      %get3A_358 = vector.shape_cast %get3A_357 : vector<1x16xf32> to vector<16xf32>
      %add3A_359 = arith.addf %add3A_352, %get3A_358 : vector<16xf32>
      %add3A_360 = arith.constant 4 : i32
      %add3A_361 = arith.addi %mul3A_186, %add3A_360 : i32
      %get3A_362 = arith.index_cast %add3A_361 : i32 to index
      %get3A_363 = arith.constant 32 : index
      %get3A_364 = tpu.vector_load %arg6[%get3A_362, %get3A_363] {strides = array<i32>} : memref<640x128xf32, #tpu.memory_space<vmem>>, vector<1x16xf32>,
      %get3A_365 = vector.shape_cast %get3A_364 : vector<1x16xf32> to vector<16xf32>
      %add3A_366 = arith.addf %add3A_359, %get3A_365 : vector<16xf32>
      %add3A_367 = arith.constant 5 : i32
      %add3A_368 = arith.addi %mul3A_186, %add3A_367 : i32
      %get3A_369 = arith.index_cast %add3A_368 : i32 to index
      %get3A_370 = arith.constant 32 : index
      %get3A_371 = tpu.vector_load %arg6[%get3A_369, %get3A_370] {strides = array<i32>} : memref<640x128xf32, #tpu.memory_space<vmem>>, vector<1x16xf32>,
      %get3A_372 = vector.shape_cast %get3A_371 : vector<1x16xf32> to vector<16xf32>
      %add3A_373 = arith.addf %add3A_366, %get3A_372 : vector<16xf32>
      %add3A_374 = arith.constant 6 : i32
      %add3A_375 = arith.addi %mul3A_186, %add3A_374 : i32
      %get3A_376 = arith.index_cast %add3A_375 : i32 to index
      %get3A_377 = arith.constant 32 : index
      %get3A_378 = tpu.vector_load %arg6[%get3A_376, %get3A_377] {strides = array<i32>} : memref<640x128xf32, #tpu.memory_space<vmem>>, vector<1x16xf32>,
      %get3A_379 = vector.shape_cast %get3A_378 : vector<1x16xf32> to vector<16xf32>
      %add3A_380 = arith.addf %add3A_373, %get3A_379 : vector<16xf32>
      %add3A_381 = arith.constant 7 : i32
      %add3A_382 = arith.addi %mul3A_186, %add3A_381 : i32
      %get3A_383 = arith.index_cast %add3A_382 : i32 to index
      %get3A_384 = arith.constant 32 : index
      %get3A_385 = tpu.vector_load %arg6[%get3A_383, %get3A_384] {strides = array<i32>} : memref<640x128xf32, #tpu.memory_space<vmem>>, vector<1x16xf32>,
      %get3A_386 = vector.shape_cast %get3A_385 : vector<1x16xf32> to vector<16xf32>
      %add3A_387 = arith.addf %add3A_380, %get3A_386 : vector<16xf32>
      %add3A_388 = arith.constant 8 : i32
      %add3A_389 = arith.addi %mul3A_186, %add3A_388 : i32
      %get3A_390 = arith.index_cast %add3A_389 : i32 to index
      %get3A_391 = arith.constant 32 : index
      %get3A_392 = tpu.vector_load %arg6[%get3A_390, %get3A_391] {strides = array<i32>} : memref<640x128xf32, #tpu.memory_space<vmem>>, vector<1x16xf32>,
      %get3A_393 = vector.shape_cast %get3A_392 : vector<1x16xf32> to vector<16xf32>
      %add3A_394 = arith.addf %add3A_387, %get3A_393 : vector<16xf32>
      %add3A_395 = arith.constant 9 : i32
      %add3A_396 = arith.addi %mul3A_186, %add3A_395 : i32
      %get3A_397 = arith.index_cast %add3A_396 : i32 to index
      %get3A_398 = arith.constant 32 : index
      %get3A_399 = tpu.vector_load %arg6[%get3A_397, %get3A_398] {strides = array<i32>} : memref<640x128xf32, #tpu.memory_space<vmem>>, vector<1x16xf32>,
      %get3A_400 = vector.shape_cast %get3A_399 : vector<1x16xf32> to vector<16xf32>
      %add3A_401 = arith.addf %add3A_394, %get3A_400 : vector<16xf32>
      %mul3A_402 = arith.constant 1.000000e-01 : f32
      %mul3A_403 = vector.broadcast %mul3A_402 : f32 to vector<16xf32>
      %mul3A_404 = arith.mulf %add3A_401, %mul3A_403 : vector<16xf32>
      %swap3A_405 = arith.index_cast %scan3A_184 : i32 to index
      %swap3A_406 = arith.constant 32 : index
      %swap3A_407 = tpu.vector_load %arg7[%swap3A_405, %swap3A_406] {strides = array<i32>} : memref<64x128xf32, #tpu.memory_space<vmem>>, vector<1x16xf32>,
      %swap3A_408 = vector.shape_cast %swap3A_407 : vector<1x16xf32> to vector<16xf32>
      %swap3A_409 = vector.shape_cast %mul3A_404 : vector<16xf32> to vector<1x16xf32>
      tpu.vector_store %arg7[%swap3A_405, %swap3A_406], %swap3A_409 {strides = array<i32>} : memref<64x128xf32, #tpu.memory_space<vmem>>, vector<1x16xf32>,
      %get3A_410 = arith.index_cast %mul3A_186 : i32 to index
      %get3A_411 = arith.constant 48 : index
      %get3A_412 = tpu.vector_load %arg6[%get3A_410, %get3A_411] {strides = array<i32>} : memref<640x128xf32, #tpu.memory_space<vmem>>, vector<1x16xf32>,
      %get3A_413 = vector.shape_cast %get3A_412 : vector<1x16xf32> to vector<16xf32>
      %add3A_414 = arith.constant 1 : i32
      %add3A_415 = arith.addi %mul3A_186, %add3A_414 : i32
      %get3A_416 = arith.index_cast %add3A_415 : i32 to index
      %get3A_417 = arith.constant 48 : index
      %get3A_418 = tpu.vector_load %arg6[%get3A_416, %get3A_417] {strides = array<i32>} : memref<640x128xf32, #tpu.memory_space<vmem>>, vector<1x16xf32>,
      %get3A_419 = vector.shape_cast %get3A_418 : vector<1x16xf32> to vector<16xf32>
      %add3A_420 = arith.addf %get3A_413, %get3A_419 : vector<16xf32>
      %add3A_421 = arith.constant 2 : i32
      %add3A_422 = arith.addi %mul3A_186, %add3A_421 : i32
      %get3A_423 = arith.index_cast %add3A_422 : i32 to index
      %get3A_424 = arith.constant 48 : index
      %get3A_425 = tpu.vector_load %arg6[%get3A_423, %get3A_424] {strides = array<i32>} : memref<640x128xf32, #tpu.memory_space<vmem>>, vector<1x16xf32>,
      %get3A_426 = vector.shape_cast %get3A_425 : vector<1x16xf32> to vector<16xf32>
      %add3A_427 = arith.addf %add3A_420, %get3A_426 : vector<16xf32>
      %add3A_428 = arith.constant 3 : i32
      %add3A_429 = arith.addi %mul3A_186, %add3A_428 : i32
      %get3A_430 = arith.index_cast %add3A_429 : i32 to index
      %get3A_431 = arith.constant 48 : index
      %get3A_432 = tpu.vector_load %arg6[%get3A_430, %get3A_431] {strides = array<i32>} : memref<640x128xf32, #tpu.memory_space<vmem>>, vector<1x16xf32>,
      %get3A_433 = vector.shape_cast %get3A_432 : vector<1x16xf32> to vector<16xf32>
      %add3A_434 = arith.addf %add3A_427, %get3A_433 : vector<16xf32>
      %add3A_435 = arith.constant 4 : i32
      %add3A_436 = arith.addi %mul3A_186, %add3A_435 : i32
      %get3A_437 = arith.index_cast %add3A_436 : i32 to index
      %get3A_438 = arith.constant 48 : index
      %get3A_439 = tpu.vector_load %arg6[%get3A_437, %get3A_438] {strides = array<i32>} : memref<640x128xf32, #tpu.memory_space<vmem>>, vector<1x16xf32>,
      %get3A_440 = vector.shape_cast %get3A_439 : vector<1x16xf32> to vector<16xf32>
      %add3A_441 = arith.addf %add3A_434, %get3A_440 : vector<16xf32>
      %add3A_442 = arith.constant 5 : i32
      %add3A_443 = arith.addi %mul3A_186, %add3A_442 : i32
      %get3A_444 = arith.index_cast %add3A_443 : i32 to index
      %get3A_445 = arith.constant 48 : index
      %get3A_446 = tpu.vector_load %arg6[%get3A_444, %get3A_445] {strides = array<i32>} : memref<640x128xf32, #tpu.memory_space<vmem>>, vector<1x16xf32>,
      %get3A_447 = vector.shape_cast %get3A_446 : vector<1x16xf32> to vector<16xf32>
      %add3A_448 = arith.addf %add3A_441, %get3A_447 : vector<16xf32>
      %add3A_449 = arith.constant 6 : i32
      %add3A_450 = arith.addi %mul3A_186, %add3A_449 : i32
      %get3A_451 = arith.index_cast %add3A_450 : i32 to index
      %get3A_452 = arith.constant 48 : index
      %get3A_453 = tpu.vector_load %arg6[%get3A_451, %get3A_452] {strides = array<i32>} : memref<640x128xf32, #tpu.memory_space<vmem>>, vector<1x16xf32>,
      %get3A_454 = vector.shape_cast %get3A_453 : vector<1x16xf32> to vector<16xf32>
      %add3A_455 = arith.addf %add3A_448, %get3A_454 : vector<16xf32>
      %add3A_456 = arith.constant 7 : i32
      %add3A_457 = arith.addi %mul3A_186, %add3A_456 : i32
      %get3A_458 = arith.index_cast %add3A_457 : i32 to index
      %get3A_459 = arith.constant 48 : index
      %get3A_460 = tpu.vector_load %arg6[%get3A_458, %get3A_459] {strides = array<i32>} : memref<640x128xf32, #tpu.memory_space<vmem>>, vector<1x16xf32>,
      %get3A_461 = vector.shape_cast %get3A_460 : vector<1x16xf32> to vector<16xf32>
      %add3A_462 = arith.addf %add3A_455, %get3A_461 : vector<16xf32>
      %add3A_463 = arith.constant 8 : i32
      %add3A_464 = arith.addi %mul3A_186, %add3A_463 : i32
      %get3A_465 = arith.index_cast %add3A_464 : i32 to index
      %get3A_466 = arith.constant 48 : index
      %get3A_467 = tpu.vector_load %arg6[%get3A_465, %get3A_466] {strides = array<i32>} : memref<640x128xf32, #tpu.memory_space<vmem>>, vector<1x16xf32>,
      %get3A_468 = vector.shape_cast %get3A_467 : vector<1x16xf32> to vector<16xf32>
      %add3A_469 = arith.addf %add3A_462, %get3A_468 : vector<16xf32>
      %add3A_470 = arith.constant 9 : i32
      %add3A_471 = arith.addi %mul3A_186, %add3A_470 : i32
      %get3A_472 = arith.index_cast %add3A_471 : i32 to index
      %get3A_473 = arith.constant 48 : index
      %get3A_474 = tpu.vector_load %arg6[%get3A_472, %get3A_473] {strides = array<i32>} : memref<640x128xf32, #tpu.memory_space<vmem>>, vector<1x16xf32>,
      %get3A_475 = vector.shape_cast %get3A_474 : vector<1x16xf32> to vector<16xf32>
      %add3A_476 = arith.addf %add3A_469, %get3A_475 : vector<16xf32>
      %mul3A_477 = arith.constant 1.000000e-01 : f32
      %mul3A_478 = vector.broadcast %mul3A_477 : f32 to vector<16xf32>
      %mul3A_479 = arith.mulf %add3A_476, %mul3A_478 : vector<16xf32>
      %swap3A_480 = arith.index_cast %scan3A_184 : i32 to index
      %swap3A_481 = arith.constant 48 : index
      %swap3A_482 = tpu.vector_load %arg7[%swap3A_480, %swap3A_481] {strides = array<i32>} : memref<64x128xf32, #tpu.memory_space<vmem>>, vector<1x16xf32>,
      %swap3A_483 = vector.shape_cast %swap3A_482 : vector<1x16xf32> to vector<16xf32>
      %swap3A_484 = vector.shape_cast %mul3A_479 : vector<16xf32> to vector<1x16xf32>
      tpu.vector_store %arg7[%swap3A_480, %swap3A_481], %swap3A_484 {strides = array<i32>} : memref<64x128xf32, #tpu.memory_space<vmem>>, vector<1x16xf32>,
      %get3A_485 = arith.index_cast %mul3A_186 : i32 to index
      %get3A_486 = arith.constant 64 : index
      %get3A_487 = tpu.vector_load %arg6[%get3A_485, %get3A_486] {strides = array<i32>} : memref<640x128xf32, #tpu.memory_space<vmem>>, vector<1x16xf32>,
      %get3A_488 = vector.shape_cast %get3A_487 : vector<1x16xf32> to vector<16xf32>
      %add3A_489 = arith.constant 1 : i32
      %add3A_490 = arith.addi %mul3A_186, %add3A_489 : i32
      %get3A_491 = arith.index_cast %add3A_490 : i32 to index
      %get3A_492 = arith.constant 64 : index
      %get3A_493 = tpu.vector_load %arg6[%get3A_491, %get3A_492] {strides = array<i32>} : memref<640x128xf32, #tpu.memory_space<vmem>>, vector<1x16xf32>,
      %get3A_494 = vector.shape_cast %get3A_493 : vector<1x16xf32> to vector<16xf32>
      %add3A_495 = arith.addf %get3A_488, %get3A_494 : vector<16xf32>
      %add3A_496 = arith.constant 2 : i32
      %add3A_497 = arith.addi %mul3A_186, %add3A_496 : i32
      %get3A_498 = arith.index_cast %add3A_497 : i32 to index
      %get3A_499 = arith.constant 64 : index
      %get3A_500 = tpu.vector_load %arg6[%get3A_498, %get3A_499] {strides = array<i32>} : memref<640x128xf32, #tpu.memory_space<vmem>>, vector<1x16xf32>,
      %get3A_501 = vector.shape_cast %get3A_500 : vector<1x16xf32> to vector<16xf32>
      %add3A_502 = arith.addf %add3A_495, %get3A_501 : vector<16xf32>
      %add3A_503 = arith.constant 3 : i32
      %add3A_504 = arith.addi %mul3A_186, %add3A_503 : i32
      %get3A_505 = arith.index_cast %add3A_504 : i32 to index
      %get3A_506 = arith.constant 64 : index
      %get3A_507 = tpu.vector_load %arg6[%get3A_505, %get3A_506] {strides = array<i32>} : memref<640x128xf32, #tpu.memory_space<vmem>>, vector<1x16xf32>,
      %get3A_508 = vector.shape_cast %get3A_507 : vector<1x16xf32> to vector<16xf32>
      %add3A_509 = arith.addf %add3A_502, %get3A_508 : vector<16xf32>
      %add3A_510 = arith.constant 4 : i32
      %add3A_511 = arith.addi %mul3A_186, %add3A_510 : i32
      %get3A_512 = arith.index_cast %add3A_511 : i32 to index
      %get3A_513 = arith.constant 64 : index
      %get3A_514 = tpu.vector_load %arg6[%get3A_512, %get3A_513] {strides = array<i32>} : memref<640x128xf32, #tpu.memory_space<vmem>>, vector<1x16xf32>,
      %get3A_515 = vector.shape_cast %get3A_514 : vector<1x16xf32> to vector<16xf32>
      %add3A_516 = arith.addf %add3A_509, %get3A_515 : vector<16xf32>
      %add3A_517 = arith.constant 5 : i32
      %add3A_518 = arith.addi %mul3A_186, %add3A_517 : i32
      %get3A_519 = arith.index_cast %add3A_518 : i32 to index
      %get3A_520 = arith.constant 64 : index
      %get3A_521 = tpu.vector_load %arg6[%get3A_519, %get3A_520] {strides = array<i32>} : memref<640x128xf32, #tpu.memory_space<vmem>>, vector<1x16xf32>,
      %get3A_522 = vector.shape_cast %get3A_521 : vector<1x16xf32> to vector<16xf32>
      %add3A_523 = arith.addf %add3A_516, %get3A_522 : vector<16xf32>
      %add3A_524 = arith.constant 6 : i32
      %add3A_525 = arith.addi %mul3A_186, %add3A_524 : i32
      %get3A_526 = arith.index_cast %add3A_525 : i32 to index
      %get3A_527 = arith.constant 64 : index
      %get3A_528 = tpu.vector_load %arg6[%get3A_526, %get3A_527] {strides = array<i32>} : memref<640x128xf32, #tpu.memory_space<vmem>>, vector<1x16xf32>,
      %get3A_529 = vector.shape_cast %get3A_528 : vector<1x16xf32> to vector<16xf32>
      %add3A_530 = arith.addf %add3A_523, %get3A_529 : vector<16xf32>
      %add3A_531 = arith.constant 7 : i32
      %add3A_532 = arith.addi %mul3A_186, %add3A_531 : i32
      %get3A_533 = arith.index_cast %add3A_532 : i32 to index
      %get3A_534 = arith.constant 64 : index
      %get3A_535 = tpu.vector_load %arg6[%get3A_533, %get3A_534] {strides = array<i32>} : memref<640x128xf32, #tpu.memory_space<vmem>>, vector<1x16xf32>,
      %get3A_536 = vector.shape_cast %get3A_535 : vector<1x16xf32> to vector<16xf32>
      %add3A_537 = arith.addf %add3A_530, %get3A_536 : vector<16xf32>
      %add3A_538 = arith.constant 8 : i32
      %add3A_539 = arith.addi %mul3A_186, %add3A_538 : i32
      %get3A_540 = arith.index_cast %add3A_539 : i32 to index
      %get3A_541 = arith.constant 64 : index
      %get3A_542 = tpu.vector_load %arg6[%get3A_540, %get3A_541] {strides = array<i32>} : memref<640x128xf32, #tpu.memory_space<vmem>>, vector<1x16xf32>,
      %get3A_543 = vector.shape_cast %get3A_542 : vector<1x16xf32> to vector<16xf32>
      %add3A_544 = arith.addf %add3A_537, %get3A_543 : vector<16xf32>
      %add3A_545 = arith.constant 9 : i32
      %add3A_546 = arith.addi %mul3A_186, %add3A_545 : i32
      %get3A_547 = arith.index_cast %add3A_546 : i32 to index
      %get3A_548 = arith.constant 64 : index
      %get3A_549 = tpu.vector_load %arg6[%get3A_547, %get3A_548] {strides = array<i32>} : memref<640x128xf32, #tpu.memory_space<vmem>>, vector<1x16xf32>,
      %get3A_550 = vector.shape_cast %get3A_549 : vector<1x16xf32> to vector<16xf32>
      %add3A_551 = arith.addf %add3A_544, %get3A_550 : vector<16xf32>
      %mul3A_552 = arith.constant 1.000000e-01 : f32
      %mul3A_553 = vector.broadcast %mul3A_552 : f32 to vector<16xf32>
      %mul3A_554 = arith.mulf %add3A_551, %mul3A_553 : vector<16xf32>
      %swap3A_555 = arith.index_cast %scan3A_184 : i32 to index
      %swap3A_556 = arith.constant 64 : index
      %swap3A_557 = tpu.vector_load %arg7[%swap3A_555, %swap3A_556] {strides = array<i32>} : memref<64x128xf32, #tpu.memory_space<vmem>>, vector<1x16xf32>,
      %swap3A_558 = vector.shape_cast %swap3A_557 : vector<1x16xf32> to vector<16xf32>
      %swap3A_559 = vector.shape_cast %mul3A_554 : vector<16xf32> to vector<1x16xf32>
      tpu.vector_store %arg7[%swap3A_555, %swap3A_556], %swap3A_559 {strides = array<i32>} : memref<64x128xf32, #tpu.memory_space<vmem>>, vector<1x16xf32>,
      %get3A_560 = arith.index_cast %mul3A_186 : i32 to index
      %get3A_561 = arith.constant 80 : index
      %get3A_562 = tpu.vector_load %arg6[%get3A_560, %get3A_561] {strides = array<i32>} : memref<640x128xf32, #tpu.memory_space<vmem>>, vector<1x16xf32>,
      %get3A_563 = vector.shape_cast %get3A_562 : vector<1x16xf32> to vector<16xf32>
      %add3A_564 = arith.constant 1 : i32
      %add3A_565 = arith.addi %mul3A_186, %add3A_564 : i32
      %get3A_566 = arith.index_cast %add3A_565 : i32 to index
      %get3A_567 = arith.constant 80 : index
      %get3A_568 = tpu.vector_load %arg6[%get3A_566, %get3A_567] {strides = array<i32>} : memref<640x128xf32, #tpu.memory_space<vmem>>, vector<1x16xf32>,
      %get3A_569 = vector.shape_cast %get3A_568 : vector<1x16xf32> to vector<16xf32>
      %add3A_570 = arith.addf %get3A_563, %get3A_569 : vector<16xf32>
      %add3A_571 = arith.constant 2 : i32
      %add3A_572 = arith.addi %mul3A_186, %add3A_571 : i32
      %get3A_573 = arith.index_cast %add3A_572 : i32 to index
      %get3A_574 = arith.constant 80 : index
      %get3A_575 = tpu.vector_load %arg6[%get3A_573, %get3A_574] {strides = array<i32>} : memref<640x128xf32, #tpu.memory_space<vmem>>, vector<1x16xf32>,
      %get3A_576 = vector.shape_cast %get3A_575 : vector<1x16xf32> to vector<16xf32>
      %add3A_577 = arith.addf %add3A_570, %get3A_576 : vector<16xf32>
      %add3A_578 = arith.constant 3 : i32
      %add3A_579 = arith.addi %mul3A_186, %add3A_578 : i32
      %get3A_580 = arith.index_cast %add3A_579 : i32 to index
      %get3A_581 = arith.constant 80 : index
      %get3A_582 = tpu.vector_load %arg6[%get3A_580, %get3A_581] {strides = array<i32>} : memref<640x128xf32, #tpu.memory_space<vmem>>, vector<1x16xf32>,
      %get3A_583 = vector.shape_cast %get3A_582 : vector<1x16xf32> to vector<16xf32>
      %add3A_584 = arith.addf %add3A_577, %get3A_583 : vector<16xf32>
      %add3A_585 = arith.constant 4 : i32
      %add3A_586 = arith.addi %mul3A_186, %add3A_585 : i32
      %get3A_587 = arith.index_cast %add3A_586 : i32 to index
      %get3A_588 = arith.constant 80 : index
      %get3A_589 = tpu.vector_load %arg6[%get3A_587, %get3A_588] {strides = array<i32>} : memref<640x128xf32, #tpu.memory_space<vmem>>, vector<1x16xf32>,
      %get3A_590 = vector.shape_cast %get3A_589 : vector<1x16xf32> to vector<16xf32>
      %add3A_591 = arith.addf %add3A_584, %get3A_590 : vector<16xf32>
      %add3A_592 = arith.constant 5 : i32
      %add3A_593 = arith.addi %mul3A_186, %add3A_592 : i32
      %get3A_594 = arith.index_cast %add3A_593 : i32 to index
      %get3A_595 = arith.constant 80 : index
      %get3A_596 = tpu.vector_load %arg6[%get3A_594, %get3A_595] {strides = array<i32>} : memref<640x128xf32, #tpu.memory_space<vmem>>, vector<1x16xf32>,
      %get3A_597 = vector.shape_cast %get3A_596 : vector<1x16xf32> to vector<16xf32>
      %add3A_598 = arith.addf %add3A_591, %get3A_597 : vector<16xf32>
      %add3A_599 = arith.constant 6 : i32
      %add3A_600 = arith.addi %mul3A_186, %add3A_599 : i32
      %get3A_601 = arith.index_cast %add3A_600 : i32 to index
      %get3A_602 = arith.constant 80 : index
      %get3A_603 = tpu.vector_load %arg6[%get3A_601, %get3A_602] {strides = array<i32>} : memref<640x128xf32, #tpu.memory_space<vmem>>, vector<1x16xf32>,
      %get3A_604 = vector.shape_cast %get3A_603 : vector<1x16xf32> to vector<16xf32>
      %add3A_605 = arith.addf %add3A_598, %get3A_604 : vector<16xf32>
      %add3A_606 = arith.constant 7 : i32
      %add3A_607 = arith.addi %mul3A_186, %add3A_606 : i32
      %get3A_608 = arith.index_cast %add3A_607 : i32 to index
      %get3A_609 = arith.constant 80 : index
      %get3A_610 = tpu.vector_load %arg6[%get3A_608, %get3A_609] {strides = array<i32>} : memref<640x128xf32, #tpu.memory_space<vmem>>, vector<1x16xf32>,
      %get3A_611 = vector.shape_cast %get3A_610 : vector<1x16xf32> to vector<16xf32>
      %add3A_612 = arith.addf %add3A_605, %get3A_611 : vector<16xf32>
      %add3A_613 = arith.constant 8 : i32
      %add3A_614 = arith.addi %mul3A_186, %add3A_613 : i32
      %get3A_615 = arith.index_cast %add3A_614 : i32 to index
      %get3A_616 = arith.constant 80 : index
      %get3A_617 = tpu.vector_load %arg6[%get3A_615, %get3A_616] {strides = array<i32>} : memref<640x128xf32, #tpu.memory_space<vmem>>, vector<1x16xf32>,
      %get3A_618 = vector.shape_cast %get3A_617 : vector<1x16xf32> to vector<16xf32>
      %add3A_619 = arith.addf %add3A_612, %get3A_618 : vector<16xf32>
      %add3A_620 = arith.constant 9 : i32
      %add3A_621 = arith.addi %mul3A_186, %add3A_620 : i32
      %get3A_622 = arith.index_cast %add3A_621 : i32 to index
      %get3A_623 = arith.constant 80 : index
      %get3A_624 = tpu.vector_load %arg6[%get3A_622, %get3A_623] {strides = array<i32>} : memref<640x128xf32, #tpu.memory_space<vmem>>, vector<1x16xf32>,
      %get3A_625 = vector.shape_cast %get3A_624 : vector<1x16xf32> to vector<16xf32>
      %add3A_626 = arith.addf %add3A_619, %get3A_625 : vector<16xf32>
      %mul3A_627 = arith.constant 1.000000e-01 : f32
      %mul3A_628 = vector.broadcast %mul3A_627 : f32 to vector<16xf32>
      %mul3A_629 = arith.mulf %add3A_626, %mul3A_628 : vector<16xf32>
      %swap3A_630 = arith.index_cast %scan3A_184 : i32 to index
      %swap3A_631 = arith.constant 80 : index
      %swap3A_632 = tpu.vector_load %arg7[%swap3A_630, %swap3A_631] {strides = array<i32>} : memref<64x128xf32, #tpu.memory_space<vmem>>, vector<1x16xf32>,
      %swap3A_633 = vector.shape_cast %swap3A_632 : vector<1x16xf32> to vector<16xf32>
      %swap3A_634 = vector.shape_cast %mul3A_629 : vector<16xf32> to vector<1x16xf32>
      tpu.vector_store %arg7[%swap3A_630, %swap3A_631], %swap3A_634 {strides = array<i32>} : memref<64x128xf32, #tpu.memory_space<vmem>>, vector<1x16xf32>,
      %get3A_635 = arith.index_cast %mul3A_186 : i32 to index
      %get3A_636 = arith.constant 96 : index
      %get3A_637 = tpu.vector_load %arg6[%get3A_635, %get3A_636] {strides = array<i32>} : memref<640x128xf32, #tpu.memory_space<vmem>>, vector<1x16xf32>,
      %get3A_638 = vector.shape_cast %get3A_637 : vector<1x16xf32> to vector<16xf32>
      %add3A_639 = arith.constant 1 : i32
      %add3A_640 = arith.addi %mul3A_186, %add3A_639 : i32
      %get3A_641 = arith.index_cast %add3A_640 : i32 to index
      %get3A_642 = arith.constant 96 : index
      %get3A_643 = tpu.vector_load %arg6[%get3A_641, %get3A_642] {strides = array<i32>} : memref<640x128xf32, #tpu.memory_space<vmem>>, vector<1x16xf32>,
      %get3A_644 = vector.shape_cast %get3A_643 : vector<1x16xf32> to vector<16xf32>
      %add3A_645 = arith.addf %get3A_638, %get3A_644 : vector<16xf32>
      %add3A_646 = arith.constant 2 : i32
      %add3A_647 = arith.addi %mul3A_186, %add3A_646 : i32
      %get3A_648 = arith.index_cast %add3A_647 : i32 to index
      %get3A_649 = arith.constant 96 : index
      %get3A_650 = tpu.vector_load %arg6[%get3A_648, %get3A_649] {strides = array<i32>} : memref<640x128xf32, #tpu.memory_space<vmem>>, vector<1x16xf32>,
      %get3A_651 = vector.shape_cast %get3A_650 : vector<1x16xf32> to vector<16xf32>
      %add3A_652 = arith.addf %add3A_645, %get3A_651 : vector<16xf32>
      %add3A_653 = arith.constant 3 : i32
      %add3A_654 = arith.addi %mul3A_186, %add3A_653 : i32
      %get3A_655 = arith.index_cast %add3A_654 : i32 to index
      %get3A_656 = arith.constant 96 : index
      %get3A_657 = tpu.vector_load %arg6[%get3A_655, %get3A_656] {strides = array<i32>} : memref<640x128xf32, #tpu.memory_space<vmem>>, vector<1x16xf32>,
      %get3A_658 = vector.shape_cast %get3A_657 : vector<1x16xf32> to vector<16xf32>
      %add3A_659 = arith.addf %add3A_652, %get3A_658 : vector<16xf32>
      %add3A_660 = arith.constant 4 : i32
      %add3A_661 = arith.addi %mul3A_186, %add3A_660 : i32
      %get3A_662 = arith.index_cast %add3A_661 : i32 to index
      %get3A_663 = arith.constant 96 : index
      %get3A_664 = tpu.vector_load %arg6[%get3A_662, %get3A_663] {strides = array<i32>} : memref<640x128xf32, #tpu.memory_space<vmem>>, vector<1x16xf32>,
      %get3A_665 = vector.shape_cast %get3A_664 : vector<1x16xf32> to vector<16xf32>
      %add3A_666 = arith.addf %add3A_659, %get3A_665 : vector<16xf32>
      %add3A_667 = arith.constant 5 : i32
      %add3A_668 = arith.addi %mul3A_186, %add3A_667 : i32
      %get3A_669 = arith.index_cast %add3A_668 : i32 to index
      %get3A_670 = arith.constant 96 : index
      %get3A_671 = tpu.vector_load %arg6[%get3A_669, %get3A_670] {strides = array<i32>} : memref<640x128xf32, #tpu.memory_space<vmem>>, vector<1x16xf32>,
      %get3A_672 = vector.shape_cast %get3A_671 : vector<1x16xf32> to vector<16xf32>
      %add3A_673 = arith.addf %add3A_666, %get3A_672 : vector<16xf32>
      %add3A_674 = arith.constant 6 : i32
      %add3A_675 = arith.addi %mul3A_186, %add3A_674 : i32
      %get3A_676 = arith.index_cast %add3A_675 : i32 to index
      %get3A_677 = arith.constant 96 : index
      %get3A_678 = tpu.vector_load %arg6[%get3A_676, %get3A_677] {strides = array<i32>} : memref<640x128xf32, #tpu.memory_space<vmem>>, vector<1x16xf32>,
      %get3A_679 = vector.shape_cast %get3A_678 : vector<1x16xf32> to vector<16xf32>
      %add3A_680 = arith.addf %add3A_673, %get3A_679 : vector<16xf32>
      %add3A_681 = arith.constant 7 : i32
      %add3A_682 = arith.addi %mul3A_186, %add3A_681 : i32
      %get3A_683 = arith.index_cast %add3A_682 : i32 to index
      %get3A_684 = arith.constant 96 : index
      %get3A_685 = tpu.vector_load %arg6[%get3A_683, %get3A_684] {strides = array<i32>} : memref<640x128xf32, #tpu.memory_space<vmem>>, vector<1x16xf32>,
      %get3A_686 = vector.shape_cast %get3A_685 : vector<1x16xf32> to vector<16xf32>
      %add3A_687 = arith.addf %add3A_680, %get3A_686 : vector<16xf32>
      %add3A_688 = arith.constant 8 : i32
      %add3A_689 = arith.addi %mul3A_186, %add3A_688 : i32
      %get3A_690 = arith.index_cast %add3A_689 : i32 to index
      %get3A_691 = arith.constant 96 : index
      %get3A_692 = tpu.vector_load %arg6[%get3A_690, %get3A_691] {strides = array<i32>} : memref<640x128xf32, #tpu.memory_space<vmem>>, vector<1x16xf32>,
      %get3A_693 = vector.shape_cast %get3A_692 : vector<1x16xf32> to vector<16xf32>
      %add3A_694 = arith.addf %add3A_687, %get3A_693 : vector<16xf32>
      %add3A_695 = arith.constant 9 : i32
      %add3A_696 = arith.addi %mul3A_186, %add3A_695 : i32
      %get3A_697 = arith.index_cast %add3A_696 : i32 to index
      %get3A_698 = arith.constant 96 : index
      %get3A_699 = tpu.vector_load %arg6[%get3A_697, %get3A_698] {strides = array<i32>} : memref<640x128xf32, #tpu.memory_space<vmem>>, vector<1x16xf32>,
      %get3A_700 = vector.shape_cast %get3A_699 : vector<1x16xf32> to vector<16xf32>
      %add3A_701 = arith.addf %add3A_694, %get3A_700 : vector<16xf32>
      %mul3A_702 = arith.constant 1.000000e-01 : f32
      %mul3A_703 = vector.broadcast %mul3A_702 : f32 to vector<16xf32>
      %mul3A_704 = arith.mulf %add3A_701, %mul3A_703 : vector<16xf32>
      %swap3A_705 = arith.index_cast %scan3A_184 : i32 to index
      %swap3A_706 = arith.constant 96 : index
      %swap3A_707 = tpu.vector_load %arg7[%swap3A_705, %swap3A_706] {strides = array<i32>} : memref<64x128xf32, #tpu.memory_space<vmem>>, vector<1x16xf32>,
      %swap3A_708 = vector.shape_cast %swap3A_707 : vector<1x16xf32> to vector<16xf32>
      %swap3A_709 = vector.shape_cast %mul3A_704 : vector<16xf32> to vector<1x16xf32>
      tpu.vector_store %arg7[%swap3A_705, %swap3A_706], %swap3A_709 {strides = array<i32>} : memref<64x128xf32, #tpu.memory_space<vmem>>, vector<1x16xf32>,
      %get3A_710 = arith.index_cast %mul3A_186 : i32 to index
      %get3A_711 = arith.constant 112 : index
      %get3A_712 = tpu.vector_load %arg6[%get3A_710, %get3A_711] {strides = array<i32>} : memref<640x128xf32, #tpu.memory_space<vmem>>, vector<1x16xf32>,
      %get3A_713 = vector.shape_cast %get3A_712 : vector<1x16xf32> to vector<16xf32>
      %add3A_714 = arith.constant 1 : i32
      %add3A_715 = arith.addi %mul3A_186, %add3A_714 : i32
      %get3A_716 = arith.index_cast %add3A_715 : i32 to index
      %get3A_717 = arith.constant 112 : index
      %get3A_718 = tpu.vector_load %arg6[%get3A_716, %get3A_717] {strides = array<i32>} : memref<640x128xf32, #tpu.memory_space<vmem>>, vector<1x16xf32>,
      %get3A_719 = vector.shape_cast %get3A_718 : vector<1x16xf32> to vector<16xf32>
      %add3A_720 = arith.addf %get3A_713, %get3A_719 : vector<16xf32>
      %add3A_721 = arith.constant 2 : i32
      %add3A_722 = arith.addi %mul3A_186, %add3A_721 : i32
      %get3A_723 = arith.index_cast %add3A_722 : i32 to index
      %get3A_724 = arith.constant 112 : index
      %get3A_725 = tpu.vector_load %arg6[%get3A_723, %get3A_724] {strides = array<i32>} : memref<640x128xf32, #tpu.memory_space<vmem>>, vector<1x16xf32>,
      %get3A_726 = vector.shape_cast %get3A_725 : vector<1x16xf32> to vector<16xf32>
      %add3A_727 = arith.addf %add3A_720, %get3A_726 : vector<16xf32>
      %add3A_728 = arith.constant 3 : i32
      %add3A_729 = arith.addi %mul3A_186, %add3A_728 : i32
      %get3A_730 = arith.index_cast %add3A_729 : i32 to index
      %get3A_731 = arith.constant 112 : index
      %get3A_732 = tpu.vector_load %arg6[%get3A_730, %get3A_731] {strides = array<i32>} : memref<640x128xf32, #tpu.memory_space<vmem>>, vector<1x16xf32>,
      %get3A_733 = vector.shape_cast %get3A_732 : vector<1x16xf32> to vector<16xf32>
      %add3A_734 = arith.addf %add3A_727, %get3A_733 : vector<16xf32>
      %add3A_735 = arith.constant 4 : i32
      %add3A_736 = arith.addi %mul3A_186, %add3A_735 : i32
      %get3A_737 = arith.index_cast %add3A_736 : i32 to index
      %get3A_738 = arith.constant 112 : index
      %get3A_739 = tpu.vector_load %arg6[%get3A_737, %get3A_738] {strides = array<i32>} : memref<640x128xf32, #tpu.memory_space<vmem>>, vector<1x16xf32>,
      %get3A_740 = vector.shape_cast %get3A_739 : vector<1x16xf32> to vector<16xf32>
      %add3A_741 = arith.addf %add3A_734, %get3A_740 : vector<16xf32>
      %add3A_742 = arith.constant 5 : i32
      %add3A_743 = arith.addi %mul3A_186, %add3A_742 : i32
      %get3A_744 = arith.index_cast %add3A_743 : i32 to index
      %get3A_745 = arith.constant 112 : index
      %get3A_746 = tpu.vector_load %arg6[%get3A_744, %get3A_745] {strides = array<i32>} : memref<640x128xf32, #tpu.memory_space<vmem>>, vector<1x16xf32>,
      %get3A_747 = vector.shape_cast %get3A_746 : vector<1x16xf32> to vector<16xf32>
      %add3A_748 = arith.addf %add3A_741, %get3A_747 : vector<16xf32>
      %add3A_749 = arith.constant 6 : i32
      %add3A_750 = arith.addi %mul3A_186, %add3A_749 : i32
      %get3A_751 = arith.index_cast %add3A_750 : i32 to index
      %get3A_752 = arith.constant 112 : index
      %get3A_753 = tpu.vector_load %arg6[%get3A_751, %get3A_752] {strides = array<i32>} : memref<640x128xf32, #tpu.memory_space<vmem>>, vector<1x16xf32>,
      %get3A_754 = vector.shape_cast %get3A_753 : vector<1x16xf32> to vector<16xf32>
      %add3A_755 = arith.addf %add3A_748, %get3A_754 : vector<16xf32>
      %add3A_756 = arith.constant 7 : i32
      %add3A_757 = arith.addi %mul3A_186, %add3A_756 : i32
      %get3A_758 = arith.index_cast %add3A_757 : i32 to index
      %get3A_759 = arith.constant 112 : index
      %get3A_760 = tpu.vector_load %arg6[%get3A_758, %get3A_759] {strides = array<i32>} : memref<640x128xf32, #tpu.memory_space<vmem>>, vector<1x16xf32>,
      %get3A_761 = vector.shape_cast %get3A_760 : vector<1x16xf32> to vector<16xf32>
      %add3A_762 = arith.addf %add3A_755, %get3A_761 : vector<16xf32>
      %add3A_763 = arith.constant 8 : i32
      %add3A_764 = arith.addi %mul3A_186, %add3A_763 : i32
      %get3A_765 = arith.index_cast %add3A_764 : i32 to index
      %get3A_766 = arith.constant 112 : index
      %get3A_767 = tpu.vector_load %arg6[%get3A_765, %get3A_766] {strides = array<i32>} : memref<640x128xf32, #tpu.memory_space<vmem>>, vector<1x16xf32>,
      %get3A_768 = vector.shape_cast %get3A_767 : vector<1x16xf32> to vector<16xf32>
      %add3A_769 = arith.addf %add3A_762, %get3A_768 : vector<16xf32>
      %add3A_770 = arith.constant 9 : i32
      %add3A_771 = arith.addi %mul3A_186, %add3A_770 : i32
      %get3A_772 = arith.index_cast %add3A_771 : i32 to index
      %get3A_773 = arith.constant 112 : index
      %get3A_774 = tpu.vector_load %arg6[%get3A_772, %get3A_773] {strides = array<i32>} : memref<640x128xf32, #tpu.memory_space<vmem>>, vector<1x16xf32>,
      %get3A_775 = vector.shape_cast %get3A_774 : vector<1x16xf32> to vector<16xf32>
      %add3A_776 = arith.addf %add3A_769, %get3A_775 : vector<16xf32>
      %mul3A_777 = arith.constant 1.000000e-01 : f32
      %mul3A_778 = vector.broadcast %mul3A_777 : f32 to vector<16xf32>
      %mul3A_779 = arith.mulf %add3A_776, %mul3A_778 : vector<16xf32>
      %swap3A_780 = arith.index_cast %scan3A_184 : i32 to index
      %swap3A_781 = arith.constant 112 : index
      %swap3A_782 = tpu.vector_load %arg7[%swap3A_780, %swap3A_781] {strides = array<i32>} : memref<64x128xf32, #tpu.memory_space<vmem>>, vector<1x16xf32>,
      %swap3A_783 = vector.shape_cast %swap3A_782 : vector<1x16xf32> to vector<16xf32>
      %swap3A_784 = vector.shape_cast %mul3A_779 : vector<16xf32> to vector<1x16xf32>
      tpu.vector_store %arg7[%swap3A_780, %swap3A_781], %swap3A_784 {strides = array<i32>} : memref<64x128xf32, #tpu.memory_space<vmem>>, vector<1x16xf32>,
    }
    %scan3A_179 = arith.constant 64 : i32
    %mul3A_180 = arith.constant 128 : i32
    %mul3A_181 = arith.muli %add3A, %mul3A_180 : i32
    %add3A_182 = arith.constant 64 : i32
    %add3A_183 = arith.addi %mul3A_181, %add3A_182 : i32
    "tpu.region"() ({
      %run_scoped3A = tpu.sem_alloc : memref<!tpu.dma_semaphore, #tpu.memory_space<semaphore_mem>>
      %dma_start3A_184 = arith.constant 0 : i32
      %dma_start3A_185 = tpu.memref_slice %arg4[%add3A_183, %dma_start3A_184] : memref<4096x128xf32, #tpu.memory_space<hbm>> -> memref<64x128xf32, #tpu.memory_space<hbm>>
      %dma_start3A_186 = arith.constant 0 : i32
      %dma_start3A_187 = tpu.memref_slice %arg4[%add3A_183, %dma_start3A_186] : memref<4096x128xf32, #tpu.memory_space<hbm>> -> memref<64x128xf32, #tpu.memory_space<hbm>>
      tpu.enqueue_dma source(%arg7 : memref<64x128xf32, #tpu.memory_space<vmem>>) target(%dma_start3A_187 : memref<64x128xf32, #tpu.memory_space<hbm>>) target_semaphore(%run_scoped3A : memref<!tpu.dma_semaphore, #tpu.memory_space<semaphore_mem>>)
      %dma_wait3A_188 = arith.constant 0 : i32
      %dma_wait3A_189 = tpu.memref_slice %arg4[%add3A_183, %dma_wait3A_188] : memref<4096x128xf32, #tpu.memory_space<hbm>> -> memref<64x128xf32, #tpu.memory_space<hbm>>
      %dma_wait3A_190 = arith.constant 0 : i32
      %dma_wait3A_191 = tpu.memref_slice %arg4[%add3A_183, %dma_wait3A_190] : memref<4096x128xf32, #tpu.memory_space<hbm>> -> memref<64x128xf32, #tpu.memory_space<hbm>>
      tpu.wait_dma2 semaphore(%run_scoped3A : memref<!tpu.dma_semaphore, #tpu.memory_space<semaphore_mem>>) src(%arg7 : memref<64x128xf32, #tpu.memory_space<vmem>>) dst(%dma_wait3A_191 : memref<64x128xf32, #tpu.memory_space<hbm>>)
      tpu.yield
    }) : () -> ()
    return
  }
}

module attributes {stable_mosaic.version = 14 : i64} {
  func.func @_pass2_body(%arg0: i32, %arg1: i32, %arg2: memref<512x128xbf16, #tpu.memory_space<vmem>>, %arg3: memref<128x4096xbf16, #tpu.memory_space<vmem>>, %arg4: memref<1x4096xf32, #tpu.memory_space<vmem>>, %arg5: memref<512x1xf32, #tpu.memory_space<vmem>>, %arg6: memref<512x1xf32, #tpu.memory_space<vmem>>, %arg7: memref<512x4096xf32, #tpu.memory_space<vmem>>) attributes {dimension_semantics = [#tpu.dimension_semantics<arbitrary>, #tpu.dimension_semantics<arbitrary>], iteration_bounds = array<i64: 25, 8>, scalar_prefetch = 0 : i64, scratch_operands = 0 : i64, tpu.core_type = #tpu.core_type<tc>, window_params = [{transform_indices = @transform_0, window_bounds = array<i64: 512, 128>}, {transform_indices = @transform_1, window_bounds = array<i64: 128, 4096>}, {transform_indices = @transform_2, window_bounds = array<i64: 1, 4096>}, {transform_indices = @transform_3, window_bounds = array<i64: 512, 1>}, {transform_indices = @transform_4, window_bounds = array<i64: 512, 1>}, {transform_indices = @transform_5, window_bounds = array<i64: 512, 4096>}]} {
    %get3A = arith.constant 0 : index
    %get3A_0 = arith.constant 0 : index
    %get3A_1 = vector.load %arg2[%get3A, %get3A_0] : memref<512x128xbf16, #tpu.memory_space<vmem>>, vector<512x128xbf16>
    %get3A_2 = arith.constant 0 : index
    %get3A_3 = arith.constant 0 : index
    %get3A_4 = vector.load %arg3[%get3A_2, %get3A_3] : memref<128x4096xbf16, #tpu.memory_space<vmem>>, vector<128x4096xbf16>
    %dot_general3A = arith.constant dense<0.000000e+00> : vector<512x4096xf32>
    %dot_general3A_5 = tpu.matmul %get3A_1, %get3A_4, %dot_general3A {dimension_numbers = #tpu.dot_dimension_numbers<[1], [0], [0], [1], [0, 0, 1, 1], [], []>, transpose_lhs_hint = false} : vector<512x128xbf16>, vector<128x4096xbf16>, vector<512x4096xf32> -> vector<512x4096xf32>
    %get3A_6 = arith.constant 0 : index
    %get3A_7 = arith.constant 0 : index
    %get3A_8 = vector.load %arg4[%get3A_6, %get3A_7] : memref<1x4096xf32, #tpu.memory_space<vmem>>, vector<1x4096xf32>
    %add3A = vector.broadcast %get3A_8 : vector<1x4096xf32> to vector<512x4096xf32>
    %add3A_9 = arith.addf %dot_general3A_5, %add3A : vector<512x4096xf32>
    %mul3A = arith.constant 4096 : i32
    %mul3A_10 = arith.muli %arg0, %mul3A : i32
    %iota3A = tpu.iota {dimensions = array<i32: 1>} : vector<512x4096xi32>
    %add3A_11 = vector.broadcast %mul3A_10 : i32 to vector<512x4096xi32>
    %add3A_12 = arith.addi %add3A_11, %iota3A : vector<512x4096xi32>
    %lt3A = arith.constant 100000 : i32
    %lt3A_13 = vector.broadcast %lt3A : i32 to vector<512x4096xi32>
    %lt3A_14 = arith.cmpi slt, %add3A_12, %lt3A_13 : vector<512x4096xi32>
    %get3A_15 = arith.constant 0 : index
    %get3A_16 = arith.constant 0 : index
    %get3A_17 = vector.load %arg5[%get3A_15, %get3A_16] : memref<512x1xf32, #tpu.memory_space<vmem>>, vector<512x1xf32>
    %sub3A = vector.broadcast %get3A_17 : vector<512x1xf32> to vector<512x4096xf32>
    %sub3A_18 = arith.subf %add3A_9, %sub3A : vector<512x4096xf32>
    %exp3A = math.exp %sub3A_18 : vector<512x4096xf32>
    %get3A_19 = arith.constant 0 : index
    %get3A_20 = arith.constant 0 : index
    %get3A_21 = vector.load %arg6[%get3A_19, %get3A_20] : memref<512x1xf32, #tpu.memory_space<vmem>>, vector<512x1xf32>
    %div3A = arith.constant 1.000000e+00 : f32
    %div3A_22 = vector.broadcast %div3A : f32 to vector<512x1xf32>
    %div3A_23 = arith.divf %div3A_22, %get3A_21 : vector<512x1xf32>
    %mul3A_24 = vector.broadcast %div3A_23 : vector<512x1xf32> to vector<512x4096xf32>
    %mul3A_25 = arith.mulf %exp3A, %mul3A_24 : vector<512x4096xf32>
    %jit3A = arith.constant 0.000000e+00 : f32
    %broadcast_in_dim3A = vector.broadcast %jit3A : f32 to vector<512x4096xf32>
    %select_n3A = arith.select %lt3A_14, %mul3A_25, %broadcast_in_dim3A : vector<512x4096xi1>, vector<512x4096xf32>
    %swap3A = arith.constant 0 : index
    %swap3A_26 = arith.constant 0 : index
    %swap3A_27 = vector.load %arg7[%swap3A, %swap3A_26] : memref<512x4096xf32, #tpu.memory_space<vmem>>, vector<512x4096xf32>
    tpu.vector_store %arg7[%swap3A, %swap3A_26], %select_n3A {strides = array<i32>} : memref<512x4096xf32, #tpu.memory_space<vmem>>, vector<512x4096xf32>,
    return
  }
  func.func @transform_0(%arg0: i32, %arg1: i32) -> (i32, i32) {
    %c0_i32 = arith.constant 0 : i32
    %c0_i32_0 = arith.constant 0 : i32
    return %arg1, %c0_i32 : i32, i32
  }
  func.func @transform_1(%arg0: i32, %arg1: i32) -> (i32, i32) {
    %c0_i32 = arith.constant 0 : i32
    %c0_i32_0 = arith.constant 0 : i32
    return %c0_i32, %arg0 : i32, i32
  }
  func.func @transform_2(%arg0: i32, %arg1: i32) -> (i32, i32) {
    %c0_i32 = arith.constant 0 : i32
    %c0_i32_0 = arith.constant 0 : i32
    return %c0_i32, %arg0 : i32, i32
  }
  func.func @transform_3(%arg0: i32, %arg1: i32) -> (i32, i32) {
    %c0_i32 = arith.constant 0 : i32
    %c0_i32_0 = arith.constant 0 : i32
    return %arg1, %c0_i32 : i32, i32
  }
  func.func @transform_4(%arg0: i32, %arg1: i32) -> (i32, i32) {
    %c0_i32 = arith.constant 0 : i32
    %c0_i32_0 = arith.constant 0 : i32
    return %arg1, %c0_i32 : i32, i32
  }
  func.func @transform_5(%arg0: i32, %arg1: i32) -> (i32, i32) {
    %c0_i32 = arith.constant 0 : i32
    return %arg1, %arg0 : i32, i32
  }
}

module attributes {stable_mosaic.version = 14 : i64} {
  func.func @_pass1_body(%arg0: i32, %arg1: i32, %arg2: memref<512x128xbf16, #tpu.memory_space<vmem>>, %arg3: memref<128x4096xbf16, #tpu.memory_space<vmem>>, %arg4: memref<1x4096xf32, #tpu.memory_space<vmem>>, %arg5: memref<512x1xf32, #tpu.memory_space<vmem>>, %arg6: memref<512x1xf32, #tpu.memory_space<vmem>>, %arg7: memref<4096x1xf32, #tpu.memory_space<vmem>>, %arg8: memref<4096x1xf32, #tpu.memory_space<vmem>>) attributes {dimension_semantics = [#tpu.dimension_semantics<arbitrary>, #tpu.dimension_semantics<arbitrary>], iteration_bounds = array<i64: 25, 8>, scalar_prefetch = 0 : i64, scratch_operands = 2 : i64, tpu.core_type = #tpu.core_type<tc>, window_params = [{transform_indices = @transform_0, window_bounds = array<i64: 512, 128>}, {transform_indices = @transform_1, window_bounds = array<i64: 128, 4096>}, {transform_indices = @transform_2, window_bounds = array<i64: 1, 4096>}, {transform_indices = @transform_3, window_bounds = array<i64: 512, 1>}, {transform_indices = @transform_4, window_bounds = array<i64: 512, 1>}]} {
    %mul3A = arith.constant 512 : i32
    %mul3A_0 = arith.muli %arg1, %mul3A : i32
    %eq3A = arith.constant 0 : i32
    %eq3A_1 = arith.cmpi eq, %arg0, %eq3A : i32
    %convert_element_type3A = arith.extui %eq3A_1 : i1 to i32
    %cond3A = arith.constant 0 : i32
    %cond3A_2 = arith.cmpi ne, %convert_element_type3A, %cond3A : i32
    scf.if %cond3A_2 {
      %broadcast_in_dim3A_50 = arith.constant 0xFF800000 : f32
      %broadcast_in_dim3A_51 = vector.broadcast %broadcast_in_dim3A_50 : f32 to vector<512x1xf32>
      %swap3A_52 = arith.index_cast %mul3A_0 : i32 to index
      %swap3A_53 = arith.constant 0 : index
      %swap3A_54 = vector.load %arg7[%swap3A_52, %swap3A_53] : memref<4096x1xf32, #tpu.memory_space<vmem>>, vector<512x1xf32>
      tpu.vector_store %arg7[%swap3A_52, %swap3A_53], %broadcast_in_dim3A_51 {strides = array<i32>} : memref<4096x1xf32, #tpu.memory_space<vmem>>, vector<512x1xf32>,
      %broadcast_in_dim3A_55 = arith.constant 0.000000e+00 : f32
      %broadcast_in_dim3A_56 = vector.broadcast %broadcast_in_dim3A_55 : f32 to vector<512x1xf32>
      %swap3A_57 = arith.index_cast %mul3A_0 : i32 to index
      %swap3A_58 = arith.constant 0 : index
      %swap3A_59 = vector.load %arg8[%swap3A_57, %swap3A_58] : memref<4096x1xf32, #tpu.memory_space<vmem>>, vector<512x1xf32>
      tpu.vector_store %arg8[%swap3A_57, %swap3A_58], %broadcast_in_dim3A_56 {strides = array<i32>} : memref<4096x1xf32, #tpu.memory_space<vmem>>, vector<512x1xf32>,
    } else {
    }
    %get3A = arith.constant 0 : index
    %get3A_3 = arith.constant 0 : index
    %get3A_4 = vector.load %arg2[%get3A, %get3A_3] : memref<512x128xbf16, #tpu.memory_space<vmem>>, vector<512x128xbf16>
    %get3A_5 = arith.constant 0 : index
    %get3A_6 = arith.constant 0 : index
    %get3A_7 = vector.load %arg3[%get3A_5, %get3A_6] : memref<128x4096xbf16, #tpu.memory_space<vmem>>, vector<128x4096xbf16>
    %dot_general3A = arith.constant dense<0.000000e+00> : vector<512x4096xf32>
    %dot_general3A_8 = tpu.matmul %get3A_4, %get3A_7, %dot_general3A {dimension_numbers = #tpu.dot_dimension_numbers<[1], [0], [0], [1], [0, 0, 1, 1], [], []>, transpose_lhs_hint = false} : vector<512x128xbf16>, vector<128x4096xbf16>, vector<512x4096xf32> -> vector<512x4096xf32>
    %get3A_9 = arith.constant 0 : index
    %get3A_10 = arith.constant 0 : index
    %get3A_11 = vector.load %arg4[%get3A_9, %get3A_10] : memref<1x4096xf32, #tpu.memory_space<vmem>>, vector<1x4096xf32>
    %add3A = vector.broadcast %get3A_11 : vector<1x4096xf32> to vector<512x4096xf32>
    %add3A_12 = arith.addf %dot_general3A_8, %add3A : vector<512x4096xf32>
    %mul3A_13 = arith.constant 4096 : i32
    %mul3A_14 = arith.muli %arg0, %mul3A_13 : i32
    %iota3A = tpu.iota {dimensions = array<i32: 1>} : vector<512x4096xi32>
    %add3A_15 = vector.broadcast %mul3A_14 : i32 to vector<512x4096xi32>
    %add3A_16 = arith.addi %add3A_15, %iota3A : vector<512x4096xi32>
    %lt3A = arith.constant 100000 : i32
    %lt3A_17 = vector.broadcast %lt3A : i32 to vector<512x4096xi32>
    %lt3A_18 = arith.cmpi slt, %add3A_16, %lt3A_17 : vector<512x4096xi32>
    %jit3A = arith.constant 0xFF800000 : f32
    %broadcast_in_dim3A = vector.broadcast %jit3A : f32 to vector<512x4096xf32>
    %select_n3A = arith.select %lt3A_18, %add3A_12, %broadcast_in_dim3A : vector<512x4096xi1>, vector<512x4096xf32>
    %reduce_max3A = arith.constant dense<0xFF800000> : vector<512xf32>
    %reduce_max3A_19 = vector.multi_reduction <maximumf>, %select_n3A, %reduce_max3A [1] : vector<512x4096xf32> to vector<512xf32>
    %broadcast_in_dim3A_20 = vector.shape_cast %reduce_max3A_19 : vector<512xf32> to vector<512x1xf32>
    %get3A_21 = arith.index_cast %mul3A_0 : i32 to index
    %get3A_22 = arith.constant 0 : index
    %get3A_23 = vector.load %arg7[%get3A_21, %get3A_22] : memref<4096x1xf32, #tpu.memory_space<vmem>>, vector<512x1xf32>
    %max3A = arith.maximumf %get3A_23, %broadcast_in_dim3A_20 : vector<512x1xf32>
    %sub3A = vector.broadcast %max3A : vector<512x1xf32> to vector<512x4096xf32>
    %sub3A_24 = arith.subf %select_n3A, %sub3A : vector<512x4096xf32>
    %exp3A = math.exp %sub3A_24 : vector<512x4096xf32>
    %jit3A_25 = arith.constant 0.000000e+00 : f32
    %broadcast_in_dim3A_26 = vector.broadcast %jit3A_25 : f32 to vector<512x4096xf32>
    %select_n3A_27 = arith.select %lt3A_18, %exp3A, %broadcast_in_dim3A_26 : vector<512x4096xi1>, vector<512x4096xf32>
    %get3A_28 = arith.index_cast %mul3A_0 : i32 to index
    %get3A_29 = arith.constant 0 : index
    %get3A_30 = vector.load %arg8[%get3A_28, %get3A_29] : memref<4096x1xf32, #tpu.memory_space<vmem>>, vector<512x1xf32>
    %get3A_31 = arith.index_cast %mul3A_0 : i32 to index
    %get3A_32 = arith.constant 0 : index
    %get3A_33 = vector.load %arg7[%get3A_31, %get3A_32] : memref<4096x1xf32, #tpu.memory_space<vmem>>, vector<512x1xf32>
    %sub3A_34 = arith.subf %get3A_33, %max3A : vector<512x1xf32>
    %exp3A_35 = math.exp %sub3A_34 : vector<512x1xf32>
    %mul3A_36 = arith.mulf %get3A_30, %exp3A_35 : vector<512x1xf32>
    %reduce_sum3A = arith.constant dense<0.000000e+00> : vector<512xf32>
    %reduce_sum3A_37 = vector.multi_reduction <add>, %select_n3A_27, %reduce_sum3A [1] : vector<512x4096xf32> to vector<512xf32>
    %broadcast_in_dim3A_38 = vector.shape_cast %reduce_sum3A_37 : vector<512xf32> to vector<512x1xf32>
    %add3A_39 = arith.addf %mul3A_36, %broadcast_in_dim3A_38 : vector<512x1xf32>
    %swap3A = arith.index_cast %mul3A_0 : i32 to index
    %swap3A_40 = arith.constant 0 : index
    %swap3A_41 = vector.load %arg8[%swap3A, %swap3A_40] : memref<4096x1xf32, #tpu.memory_space<vmem>>, vector<512x1xf32>
    tpu.vector_store %arg8[%swap3A, %swap3A_40], %add3A_39 {strides = array<i32>} : memref<4096x1xf32, #tpu.memory_space<vmem>>, vector<512x1xf32>,
    %swap3A_42 = arith.index_cast %mul3A_0 : i32 to index
    %swap3A_43 = arith.constant 0 : index
    %swap3A_44 = vector.load %arg7[%swap3A_42, %swap3A_43] : memref<4096x1xf32, #tpu.memory_space<vmem>>, vector<512x1xf32>
    tpu.vector_store %arg7[%swap3A_42, %swap3A_43], %max3A {strides = array<i32>} : memref<4096x1xf32, #tpu.memory_space<vmem>>, vector<512x1xf32>,
    %eq3A_45 = arith.constant 24 : i32
    %eq3A_46 = arith.cmpi eq, %arg0, %eq3A_45 : i32
    %convert_element_type3A_47 = arith.extui %eq3A_46 : i1 to i32
    %cond3A_48 = arith.constant 0 : i32
    %cond3A_49 = arith.cmpi ne, %convert_element_type3A_47, %cond3A_48 : i32
    scf.if %cond3A_49 {
      %get3A_50 = arith.index_cast %mul3A_0 : i32 to index
      %get3A_51 = arith.constant 0 : index
      %get3A_52 = vector.load %arg7[%get3A_50, %get3A_51] : memref<4096x1xf32, #tpu.memory_space<vmem>>, vector<512x1xf32>
      %swap3A_53 = arith.constant 0 : index
      %swap3A_54 = arith.constant 0 : index
      %swap3A_55 = vector.load %arg5[%swap3A_53, %swap3A_54] : memref<512x1xf32, #tpu.memory_space<vmem>>, vector<512x1xf32>
      tpu.vector_store %arg5[%swap3A_53, %swap3A_54], %get3A_52 {strides = array<i32>} : memref<512x1xf32, #tpu.memory_space<vmem>>, vector<512x1xf32>,
      %get3A_56 = arith.index_cast %mul3A_0 : i32 to index
      %get3A_57 = arith.constant 0 : index
      %get3A_58 = vector.load %arg8[%get3A_56, %get3A_57] : memref<4096x1xf32, #tpu.memory_space<vmem>>, vector<512x1xf32>
      %swap3A_59 = arith.constant 0 : index
      %swap3A_60 = arith.constant 0 : index
      %swap3A_61 = vector.load %arg6[%swap3A_59, %swap3A_60] : memref<512x1xf32, #tpu.memory_space<vmem>>, vector<512x1xf32>
      tpu.vector_store %arg6[%swap3A_59, %swap3A_60], %get3A_58 {strides = array<i32>} : memref<512x1xf32, #tpu.memory_space<vmem>>, vector<512x1xf32>,
    } else {
    }
    return
  }
  func.func @transform_0(%arg0: i32, %arg1: i32) -> (i32, i32) {
    %c0_i32 = arith.constant 0 : i32
    %c0_i32_0 = arith.constant 0 : i32
    return %arg1, %c0_i32 : i32, i32
  }
  func.func @transform_1(%arg0: i32, %arg1: i32) -> (i32, i32) {
    %c0_i32 = arith.constant 0 : i32
    %c0_i32_0 = arith.constant 0 : i32
    return %c0_i32, %arg0 : i32, i32
  }
  func.func @transform_2(%arg0: i32, %arg1: i32) -> (i32, i32) {
    %c0_i32 = arith.constant 0 : i32
    %c0_i32_0 = arith.constant 0 : i32
    return %c0_i32, %arg0 : i32, i32
  }
  func.func @transform_3(%arg0: i32, %arg1: i32) -> (i32, i32) {
    %c0_i32 = arith.constant 0 : i32
    %c0_i32_0 = arith.constant 0 : i32
    return %arg1, %c0_i32 : i32, i32
  }
  func.func @transform_4(%arg0: i32, %arg1: i32) -> (i32, i32) {
    %c0_i32 = arith.constant 0 : i32
    %c0_i32_0 = arith.constant 0 : i32
    return %arg1, %c0_i32 : i32, i32
  }
}

</mosaic_0001>

<sc_bundles>
// kernel: kernel.5.cloned.1.call-start
scs
__scs_entry_jumppad:
0x0: {  	(pc) =	sbr.rel $0x88, $3  }
0x1: {  	(tag) =	ssettag $0x0;
	lr =	simm.s32 $0x1  }
0x2: {  	[smem:$0x3F9D] =	sst lr;
	_ =	strace $0xD0000000  }
0x3: {  	_ = 	snop  }
0x4: {  	_ = 	snop  }
0x5: {  	_ = 	snop  }
0x6: {  	_ = 	snop  }
0x7: {  	_ = 	snop  }
__scs_overlays_trampoline_lowered:
0x8: {  	[smem:$0x3FAC] =	sst s0  }
0x9: {  	[smem:$0x3FAD] =	sst s1  }
0xa: {  	[smem:$0x3FAE] =	sst s2  }
0xb: {  	[smem:$0x3FAF] =	sst s3  }
0xc: {  	[smem:$0x3FB0] =	sst s4  }
0xd: {  	[smem:$0x3FB1] =	sst s5  }
0xe: {  	[smem:$0x3FB2] =	sst s6  }
0xf: {  	[smem:$0x3FB3] =	sst s7  }
0x10: {  	[smem:$0x3FB4] =	sst s8  }
0x11: {  	[smem:$0x3FB5] =	sst s9;
	s0 =	simm.s32 @!p0 $0x0  }
0x12: {  	s1 =	sld [smem:$0x3F9B];
	s0 =	simm.s32 @p0 $0x1  }
0x13: {  	[smem:$0x3FB6] =	sst s0;
	s0 =	simm.s32 @!p1 $0x0  }
0x14: {  	s2 =	sld [smem:$0x3F9A];
	s0 =	simm.s32 @p1 $0x1  }
0x15: {  	[smem:$0x3FB7] =	sst s0;
	s0 =	simm.s32 @!p2 $0x0  }
0x16: {  	s3 =	sld [smem:$0x3FDB];
	s0 =	simm.s32 @p2 $0x1  }
0x17: {  	s4 =	simm.s32 $0x1BF5;
	[smem:$0x3FB9] =	sst s0  }
0x18: {  	s0 =	sld [smem:$0x3F9C];
	_ =	swait.ge [sflag:s4], $0x0  }
0x19: {  	s7 =	sld [smem:$0x3F9D]  }
0x1a: {  	s8 =	sadd.s32 $0xFFFFE003, lr  }
0x1b: {  	s9 =	sadd.s32 $0xFFFFFEF7, lr;
	s5 =	simm.s32 $0xFFFFFFFF;
	p2 =	slt.u32 s8, $0xFFFFF086  }
0x1c: {  	p1 =	slt.u32 s9, $0xF7A;
	s5 =	simm.s32 @!p2 $0x0  }
0x1d: {  	s5 =	simm.s32 @p1 $0x1;
	p0 =	seq.s32 s7, s2  }
0x1e: {  	s7 =	smul.u32 @!p0 $0xF7A, s2;
	p2 =	seq.s32 @!p0 s5, $0x0  }
0x1f: {  	s9 =	smul.u32 $0xF7A, s1;
	s8 =	simm.s32 @!p0 $0x1BF5;
	p2 =	por !p2, p0  }
0x20: {  	[sflag:s8] =	ssyncset.s32 @!p0 $0xFFFFF086;
	s6 =	sadd.s32 @!p0 s3, s7;
	s7 =	simm.s32 @!p0 $0x108  }
0x21: {  	s3 =	sadd.s32 s3, s9;
	s6 =	sadd.s32 @!p0 $0x88, s6;
	s7 =	simm.s32 @p2 $0x1082  }
0x22: {  	[simem:s7], [sflag:s8] =	dma.local @!p0 [hbm:s6], $0xF7A  }
0x23: {  	s9 =	sor.u32 $0xD0000000, s2;
	s6 =	simm.s32 $0x108;
	_ =	swait.ge @!p0 [sflag:s8], $0x0  }
0x24: {  	s3 =	sadd.s32 $0x88, s3;
	s6 =	simm.s32 @!p1 $0x1082;
	[sflag:s4] =	ssyncset.s32 $0xFFFFF086  }
0x25: {  	[simem:s6], [sflag:s4] =	dma.local [hbm:s3], $0xF7A  }
0x26: {  	[smem:$0x3F9D] =	sst s1;
	(tag) =	ssettag s2;
	_ =	strace s9  }
0x27: {  	s1 =	sld [smem:$0x3FAD]  }
0x28: {  	s2 =	sld [smem:$0x3FAE]  }
0x29: {  	s4 =	sld [smem:$0x3FB0]  }
0x2a: {  	p0 =	seq.s32 s5, $0x0;
	s5 =	sld [smem:$0x3FB1]  }
0x2b: {  	s6 =	sld [smem:$0x3FB2]  }
0x2c: {  	s7 =	sld [smem:$0x3FB3]  }
0x2d: {  	s3 =	simm.s32 $0x108;
	s8 =	sld [smem:$0x3FB4]  }
0x2e: {  	s3 =	simm.s32 @!p0 $0x1082;
	s9 =	sld [smem:$0x3FB5]  }
0x2f: {  	lr =	sadd.s32 s0, s3;
	s0 =	sld [smem:$0x3FAC]  }
0x30: {  	s3 =	sld [smem:$0x3FAF]  }
0x31: {  	[smem:$0x3FB8] =	sst s10  }
0x32: {  	s10 =	sld [smem:$0x3FB6];
	_ =	sdelay $0x3  }
0x33: {  	p0 =	seq.s32 s10, $0x1;
	s10 =	sld [smem:$0x3FB8];
	_ =	sdelay $0x3  }
0x34: {  	[smem:$0x3FB8] =	sst s10  }
0x35: {  	s10 =	sld [smem:$0x3FB7];
	_ =	sdelay $0x3  }
0x36: {  	p1 =	seq.s32 s10, $0x1;
	s10 =	sld [smem:$0x3FB8];
	_ =	sdelay $0x3  }
0x37: {  	[smem:$0x3FB8] =	sst s10  }
0x38: {  	s10 =	sld [smem:$0x3FB9]  }
0x39: {  	_ = 	snop;
	(pc) =	sbr.ind lr, $3  }
0x3a: {  	_ = 	snop  }
0x3b: {  	_ = 	snop  }
0x3c: {  	p2 =	seq.s32 s10, $0x1;
	s10 =	sld [smem:$0x3FB8]  }
0x3d: {  	_ =	shalt  }
0x3e: {  	_ =	shalt  }
0x3f: {  	_ =	shalt  }
0x40: {  	_ =	shalt  }
0x41: {  	_ =	shalt  }
0x42: {  	_ =	shalt  }
0x43: {  	_ =	shalt  }
0x44: {  	_ =	shalt  }
0x45: {  	_ =	shalt  }
0x46: {  	_ =	shalt  }
0x47: {  	_ =	shalt  }
0x48: {  	_ =	shalt  }
0x49: {  	_ =	shalt  }
0x4a: {  	_ =	shalt  }
0x4b: {  	_ =	shalt  }
0x4c: {  	_ =	shalt  }
0x4d: {  	_ =	shalt  }
0x4e: {  	_ =	shalt  }
0x4f: {  	_ =	shalt  }
0x50: {  	_ =	shalt  }
0x51: {  	_ =	shalt  }
0x52: {  	_ =	shalt  }
0x53: {  	_ =	shalt  }
0x54: {  	_ =	shalt  }
0x55: {  	_ =	shalt  }
0x56: {  	_ =	shalt  }
0x57: {  	_ =	shalt  }
0x58: {  	_ =	shalt  }
0x59: {  	_ =	shalt  }
0x5a: {  	_ =	shalt  }
0x5b: {  	_ =	shalt  }
0x5c: {  	_ =	shalt  }
0x5d: {  	_ =	shalt  }
0x5e: {  	_ =	shalt  }
0x5f: {  	_ =	shalt  }
0x60: {  	_ =	shalt  }
0x61: {  	_ =	shalt  }
0x62: {  	_ =	shalt  }
0x63: {  	_ =	shalt  }
0x64: {  	_ =	shalt  }
0x65: {  	_ =	shalt  }
0x66: {  	_ =	shalt  }
0x67: {  	_ =	shalt  }
0x68: {  	_ =	shalt  }
0x69: {  	_ =	shalt  }
0x6a: {  	_ =	shalt  }
0x6b: {  	_ =	shalt  }
0x6c: {  	_ =	shalt  }
0x6d: {  	_ =	shalt  }
0x6e: {  	_ =	shalt  }
0x6f: {  	_ =	shalt  }
0x70: {  	_ =	shalt  }
0x71: {  	_ =	shalt  }
0x72: {  	_ =	shalt  }
0x73: {  	_ =	shalt  }
0x74: {  	_ =	shalt  }
0x75: {  	_ =	shalt  }
0x76: {  	_ =	shalt  }
0x77: {  	_ =	shalt  }
0x78: {  	_ =	shalt  }
0x79: {  	_ =	shalt  }
0x7a: {  	_ =	shalt  }
0x7b: {  	_ =	shalt  }
0x7c: {  	_ =	shalt  }
0x7d: {  	_ =	shalt  }
0x7e: {  	_ =	shalt  }
0x7f: {  	_ =	shalt  }
0x80: {  	_ =	shalt  }
0x81: {  	_ =	shalt  }
0x82: {  	_ =	shalt  }
0x83: {  	_ =	shalt  }
0x84: {  	_ =	shalt  }
0x85: {  	_ =	shalt  }
0x86: {  	_ =	shalt  }
0x87: {  	_ =	shalt  }
.Lfunc_end0:
.L_simem_size_0:
called_computation_lowered:
.L_overlay_start_0:
0x88: {  	s2 =	sld [smem:$0x3FD9]  }
0x89: {  	s3 =	sld [smem:$0x3FFE];
	_ =	sdelay $0x1  }
0x8a: {  	s1 =	srdreg.scid  }
0x8b: {  	s0 =	sand.u32 $0x1, s1  }
0x8c: {  	s17 =	sshll.u32 s0, $0xA;
	s2 =	sadd.s32 s3, s2  }
0x8d: {  	s2 =	sadd.s32 s2, s17  }
0x8e: {  	[smem:$0x3FC4] =	sst s2  }
0x8f: {  	_ = 	snop  }
0x90: {  	s2 =	sld [smem:$0x3FC8];
	(tm) =	ssettm $0x1  }
0x91: {  	s18 =	sld [smem:$0x3FFB];
	_ =	sdelay $0x3  }
0x92: {  	_ =	strace s18  }
0x93: {  	s3 =	sld [smem:$0x3FFC];
	_ =	sdelay $0x3  }
0x94: {  	_ =	strace s3  }
0x95: {  	s3 =	sld [smem:$0x3FFD];
	_ =	sdelay $0x3  }
0x96: {  	_ =	strace s3  }
0x97: {  	_ =	strace $0x8FFFFFFF  }
0x98: {  	s19 =	sld [smem:$0x3FDB];
	_ =	sdelay $0x1  }
0x99: {  	s4 =	simm.s32 $_scs_section_size  }
0x9a: {  	s5 =	simm.s32 $_size__tile_overlayer_lowered;
	s6 =	simm.s32 $_tile_overlayer_lowered  }
0x9b: {  	s22 =	simm.s32 $0x1BFF;
	s21 =	sshll.u32 s6, $0x1;
	s3 =	sadd.s32 s4, s19  }
0x9c: {  	s7 =	simm.s32 $0x0;
	s20 =	sshll.u32 s5, $0x1;
	s5 =	sadd.s32 s21, s3  }
0x9d: {  	[timem:s7], [sflag:s22] =	dma.local [hbm:s5], s20  }
0x9e: {  	_ =	swait.ge [sflag:s22], s20  }
0x9f: {  	s4 =	ssub.s32 $0x0, s20;
	[sflag:s22] =	ssyncset.done $0x0  }
0xa0: {  	[sflag:s22] =	ssyncadd.s32 s4;
	_ =	sdelay $0x1  }
0xa1: {  	s23 =	simm.s32 $0x1B8B  }
0xa2: {  	_ =	swait.ge [sflag:s23], $0x1  }
0xa3: {  	[sflag:s23] =	ssyncset.done $0x0  }
0xa4: {  	s25 =	simm.s32 $0x1B8E;
	s24 =	sld [smem:$0x3FFE];
	[sflag:s23] =	ssyncadd.s32 $0xFFFFFFFF  }
0xa5: {  	s26 =	simm.s32 $execute0_lowered;
	[smem:$0x3FD2] =	sst s25  }
0xa6: {  	s5 =	sshll.u32 s26, $0x1;
	_ =	strace $0x80000046;
	[dreg:$0x1] =	wrdreg $0xFFFFFFFF  }
0xa7: {  	s28 =	simm.s32 $_size_execute0_lowered;
	s3 =	sadd.s32 s3, s5;
	[dreg:$0x0] =	wrdreg $0x0  }
0xa8: {  	s5 =	sshll.u32 s28, $0x1;
	[dreg:$0x2] =	wrdreg s3  }
0xa9: {  	[dreg:$0x3] =	wrdreg s5  }
0xaa: {  	[dreg:$0x4] =	wrdreg $0xC0  }
0xab: {  	_ =	task [dreg:s7], $0x5FFFF  }
0xac: {  	[dreg:$0x1] =	wrdreg $0xFFFFFFFF  }
0xad: {  	[dreg:$0x0] =	wrdreg $0x60  }
0xae: {  	[dreg:$0x2] =	wrdreg s24  }
0xaf: {  	[dreg:$0x3] =	wrdreg s2  }
0xb0: {  	[dreg:$0x4] =	wrdreg $0x9  }
0xb1: {  	_ =	task.clear_ibuf [dreg:s7], $0x5FFFF;
	_ =	strace $0x90000046  }
0xb2: {  	s29 =	simm.s32 $0x9;
	_ =	strace $0x80000048  }
0xb3: {  	_ =	swait.ge [sflag:s29], $0x1  }
0xb4: {  	[sflag:s29] =	ssyncadd.s32 $0xFFFFFFFF  }
0xb5: {  	_ =	strace $0x90000048  }
0xb6: {  	_ =	sfence  }
0xb7: {  	s30 =	sld [smem:$0x0];
	_ =	sdelay $0x2  }
0xb8: {  	s31 =	sshll.u32 s1, $0xD;
	s1 =	sshrl.u32 s1, $0x2  }
0xb9: {  	s3 =	sand.u32 $0x4000, s31;
	s1 =	sadd.s32 s1, s30  }
0xba: {  	s0 =	sor.u32 s3, s0;
	s1 =	sshll.u32 s1, $0x11  }
0xbb: {  	s0 =	sor.u32 s1, s0  }
0xbc: {  	s0 =	sadd.s32 $0x8F2B, s0  }
0xbd: {  	[sflag:s0] =	ssyncadd.remote.s32 $0x1  }
0xbe: {  	_ =	sfence.sel $0xFFFF  }
0xbf: {  	[dreg:$0x0] =	wrdreg $0xFFFFFFFF;
	(pc) =	sbr.abs _section_cstart, $3  }
0xc0: {  	[dreg:$0x1] =	wrdreg $0xFFFFFFFF  }
0xc1: {  	_ =	task.clear_ibuf [dreg:s7], $0x2FFFF;
	_ =	strace $0x9FFFFFFF  }
0xc2: {  	(tm) =	ssettm $0x7FFFFFFF  }
0xc3: {  	_ =	shalt  }
tec
execute0_lowered:
.L_overlay_start_1:
0x0: {  	(tag) =	ssettag $0x1  }
0x1: {  	s4 =	rddreg [dreg:$0x0];
	s1 =	srdreg.scid  }
0x2: {  	s0 =	stileid.u32;
	s2 =	rddreg [dreg:$0x1]  }
0x3: {  	s3 =	simm.s32 $0x0;
	s10 =	simm.s32 $0x80;
	s11 =	simm.s32 $0x280  }
0x4: {  	s12 =	simm.s32 $0x4280;
	s13 =	simm.s32 $0x100;
	s14 =	simm.s32 $0x8280  }
0x5: {  	s15 =	simm.s32 $0x180;
	s16 =	simm.s32 $0xC280;
	s17 =	simm.s32 $0x200  }
0x6: {  	s18 =	simm.s32 $0x10280;
	s5 =	sand.u32 $0x1, s1;
	s6 =	sshll.u32 s0, $0x1  }
0x7: {  	s19 =	simm.s32 $0x1;
	s20 =	simm.s32 $0x14280;
	s6 =	sor.u32 s5, s6  }
0x8: {  	s21 =	simm.s32 $0x0;
	[smem:$0x7FF] =	sst s3;
	s7 =	smul.u32 $0x500, s6  }
0x9: {  	s1 =	rddreg [dreg:$0x2];
	_ =	strace $0x80000047;
	s5 =	ssub.s32 $0x2, s5  }
0xa: {  	s6 =	sshll.u32 s6, $0xB;
	s8 =	sshrl.u32 s5, $0x1;
	s7 =	sshrl.u32 s7, $0x3  }
0xb: {  	s9 =	sadd.s32 s6, s4;
	s8 =	ssub.s32 s5, s8;
	s7 =	sadd.s32 s7, s4  }
0xc: {  	s5 =	sadd.s32 $0x1C00, s9;
	s8 =	smax.u32 s8, $0x1;
	s4 =	sadd.s32 $0x800, s7  }
0xd: {  	s6 =	sadd.s32 $0x850, s7;
	s7 =	sadd.s32 $0x2000, s9;
	s9 =	simm.s32 $0x2  }
.LBB2_1:
0xe: {  	[tilespmem:s3], [sflag:$0x2] =	stream.linear.gather [hbm4b:s4+s3], $0x280, $0x38;
	[tilespmem:$0x16280] =	vst v63  }
0xf: {  	_ =	swait.ge [sflag:s9], $0x280  }
0x10: {  	[sflag:s9] =	ssyncset.done $0x0  }
0x11: {  	[sflag:s9] =	ssyncadd.s32 $0xFFFFFD80  }
0x12: {  	[tilespmem:s11], [sflag:$0x1] =	stream.indirect.gather [hbm4b:s2+s10], $0x80, s3, s10, $0xb8;
	[tilespmem:$0x16280] =	vst v63  }
0x13: {  	_ = 	snop  }
0x14: {  	[tilespmem:s12], [sflag:$0x1] =	stream.indirect.gather [hbm4b:s2+s10], $0x80, s10, s10, $0xb8;
	[tilespmem:$0x16280] =	vst v63  }
0x15: {  	_ = 	snop  }
0x16: {  	[tilespmem:s14], [sflag:$0x1] =	stream.indirect.gather [hbm4b:s2+s10], $0x80, s13, s10, $0xb8;
	[tilespmem:$0x16280] =	vst v63  }
0x17: {  	_ = 	snop  }
0x18: {  	[tilespmem:s16], [sflag:$0x1] =	stream.indirect.gather [hbm4b:s2+s10], $0x80, s15, s10, $0xb8;
	[tilespmem:$0x16280] =	vst v63  }
0x19: {  	_ = 	snop  }
0x1a: {  	[tilespmem:s18], [sflag:$0x1] =	stream.indirect.gather [hbm4b:s2+s10], $0x80, s17, s10, $0xb8;
	[tilespmem:$0x16280] =	vst v63  }
0x1b: {  	_ =	swait.ge [sflag:s19], $0x4000  }
0x1c: {  	[sflag:s19] =	ssyncset.done $0x0  }
0x1d: {  	[sflag:s19] =	ssyncadd.s32 $0xFFFFC000  }
0x1e: {  	_ =	swait.ge [sflag:s19], $0x4000  }
0x1f: {  	[sflag:s19] =	ssyncset.done $0x0  }
0x20: {  	[sflag:s19] =	ssyncadd.s32 $0xFFFFC000  }
0x21: {  	_ =	swait.ge [sflag:s19], $0x4000  }
0x22: {  	[sflag:s19] =	ssyncset.done $0x0  }
0x23: {  	[sflag:s19] =	ssyncadd.s32 $0xFFFFC000  }
0x24: {  	_ =	swait.ge [sflag:s19], $0x4000  }
0x25: {  	[sflag:s19] =	ssyncset.done $0x0  }
0x26: {  	[sflag:s19] =	ssyncadd.s32 $0xFFFFC000  }
0x27: {  	_ =	swait.ge [sflag:s19], $0x4000  }
0x28: {  	[sflag:s19] =	ssyncset.done $0x0  }
0x29: {  	s22 =	simm.s32 $0x500;
	[sflag:s19] =	ssyncadd.s32 $0xFFFFC000  }
0x2a: {  	v0 =	vld [tilespmem:s22+$0xFFFFFE00]  }
0x2b: {  	v1 =	vld [tilespmem:s22+$0xFFFFFD80];
	_ =	sdelay $0x1  }
0x2c: {  	v2 =	vld [tilespmem:s22+$0xFFFFFE80];
	_ =	sdelay $0x1  }
0x2d: {  	v3 =	vld [tilespmem:s22+$0xFFFFFF00]  }
0x2e: {  	v0 =	vadd.f32 v0, v1  }
0x2f: {  	v1 =	vld [tilespmem:s22+$0xFFFFFF80]  }
0x30: {  	v0 =	vadd.f32 v2, v0  }
0x31: {  	v2 =	vld [tilespmem:s22+$0x0]  }
0x32: {  	v0 =	vadd.f32 v3, v0  }
0x33: {  	v3 =	vld [tilespmem:s22+$0x80]  }
0x34: {  	v0 =	vadd.f32 v1, v0  }
0x35: {  	v1 =	vld [tilespmem:s22+$0x100]  }
0x36: {  	v0 =	vadd.f32 v2, v0  }
0x37: {  	v2 =	vld [tilespmem:s22+$0x180]  }
0x38: {  	v0 =	vadd.f32 v3, v0  }
0x39: {  	v3 =	vld [tilespmem:s22+$0x200]  }
0x3a: {  	v0 =	vadd.f32 v1, v0;
	_ =	sdelay $0x1  }
0x3b: {  	v0 =	vadd.f32 v2, v0;
	_ =	sdelay $0x1  }
0x3c: {  	v0 =	vadd.f32 v3, v0;
	_ =	sdelay $0x1  }
0x3d: {  	v0 =	vmul.f32 $1.000000010e-01, v0  }
0x3e: {  	s23 =	simm.s32 $0x0  }
0x3f: {  	[tilespmem:s23+$0x14280] =	vst v0  }
0x40: {  	v0 =	vld [tilespmem:s22+$0xFFFFFD90]  }
0x41: {  	v1 =	vld [tilespmem:s22+$0xFFFFFE10];
	_ =	sdelay $0x1  }
0x42: {  	v2 =	vld [tilespmem:s22+$0xFFFFFE90];
	_ =	sdelay $0x1  }
0x43: {  	v3 =	vld [tilespmem:s22+$0xFFFFFF10]  }
0x44: {  	v0 =	vadd.f32 v1, v0  }
0x45: {  	v1 =	vld [tilespmem:s22+$0xFFFFFF90]  }
0x46: {  	v0 =	vadd.f32 v2, v0  }
0x47: {  	v2 =	vld [tilespmem:s22+$0x10]  }
0x48: {  	v0 =	vadd.f32 v3, v0  }
0x49: {  	v3 =	vld [tilespmem:s22+$0x90]  }
0x4a: {  	v0 =	vadd.f32 v1, v0  }
0x4b: {  	v1 =	vld [tilespmem:s22+$0x110]  }
0x4c: {  	v0 =	vadd.f32 v2, v0  }
0x4d: {  	v2 =	vld [tilespmem:s22+$0x190]  }
0x4e: {  	v0 =	vadd.f32 v3, v0  }
0x4f: {  	v3 =	vld [tilespmem:s22+$0x210]  }
0x50: {  	v0 =	vadd.f32 v1, v0;
	_ =	sdelay $0x1  }
0x51: {  	v0 =	vadd.f32 v2, v0;
	_ =	sdelay $0x1  }
0x52: {  	v0 =	vadd.f32 v3, v0;
	_ =	sdelay $0x1  }
0x53: {  	v0 =	vmul.f32 $1.000000010e-01, v0;
	_ =	sdelay $0x1  }
0x54: {  	[tilespmem:s23+$0x14290] =	vst v0  }
0x55: {  	v0 =	vld [tilespmem:s22+$0xFFFFFDA0]  }
0x56: {  	v1 =	vld [tilespmem:s22+$0xFFFFFE20];
	_ =	sdelay $0x1  }
0x57: {  	v2 =	vld [tilespmem:s22+$0xFFFFFEA0];
	_ =	sdelay $0x1  }
0x58: {  	v3 =	vld [tilespmem:s22+$0xFFFFFF20]  }
0x59: {  	v0 =	vadd.f32 v1, v0  }
0x5a: {  	v1 =	vld [tilespmem:s22+$0xFFFFFFA0]  }
0x5b: {  	v0 =	vadd.f32 v2, v0  }
0x5c: {  	v2 =	vld [tilespmem:s22+$0x20]  }
0x5d: {  	v0 =	vadd.f32 v3, v0  }
0x5e: {  	v3 =	vld [tilespmem:s22+$0xA0]  }
0x5f: {  	v0 =	vadd.f32 v1, v0  }
0x60: {  	v1 =	vld [tilespmem:s22+$0x120]  }
0x61: {  	v0 =	vadd.f32 v2, v0  }
0x62: {  	v2 =	vld [tilespmem:s22+$0x1A0]  }
0x63: {  	v0 =	vadd.f32 v3, v0  }
0x64: {  	v3 =	vld [tilespmem:s22+$0x220]  }
0x65: {  	v0 =	vadd.f32 v1, v0;
	_ =	sdelay $0x1  }
0x66: {  	v0 =	vadd.f32 v2, v0;
	_ =	sdelay $0x1  }
0x67: {  	v0 =	vadd.f32 v3, v0;
	_ =	sdelay $0x1  }
0x68: {  	v0 =	vmul.f32 $1.000000010e-01, v0;
	_ =	sdelay $0x1  }
0x69: {  	[tilespmem:s23+$0x142A0] =	vst v0  }
0x6a: {  	v0 =	vld [tilespmem:s22+$0xFFFFFDB0]  }
0x6b: {  	v1 =	vld [tilespmem:s22+$0xFFFFFE30];
	_ =	sdelay $0x1  }
0x6c: {  	v2 =	vld [tilespmem:s22+$0xFFFFFEB0];
	_ =	sdelay $0x1  }
0x6d: {  	v3 =	vld [tilespmem:s22+$0xFFFFFF30]  }
0x6e: {  	v0 =	vadd.f32 v1, v0  }
0x6f: {  	v1 =	vld [tilespmem:s22+$0xFFFFFFB0]  }
0x70: {  	v0 =	vadd.f32 v2, v0  }
0x71: {  	v2 =	vld [tilespmem:s22+$0x30]  }
0x72: {  	v0 =	vadd.f32 v3, v0  }
0x73: {  	v3 =	vld [tilespmem:s22+$0xB0]  }
0x74: {  	v0 =	vadd.f32 v1, v0  }
0x75: {  	v1 =	vld [tilespmem:s22+$0x130]  }
0x76: {  	v0 =	vadd.f32 v2, v0  }
0x77: {  	v2 =	vld [tilespmem:s22+$0x1B0]  }
0x78: {  	v0 =	vadd.f32 v3, v0  }
0x79: {  	v3 =	vld [tilespmem:s22+$0x230]  }
0x7a: {  	v0 =	vadd.f32 v1, v0;
	_ =	sdelay $0x1  }
0x7b: {  	v0 =	vadd.f32 v2, v0;
	_ =	sdelay $0x1  }
0x7c: {  	v0 =	vadd.f32 v3, v0;
	_ =	sdelay $0x1  }
0x7d: {  	v0 =	vmul.f32 $1.000000010e-01, v0;
	_ =	sdelay $0x1  }
0x7e: {  	[tilespmem:s23+$0x142B0] =	vst v0  }
0x7f: {  	v0 =	vld [tilespmem:s22+$0xFFFFFDC0]  }
0x80: {  	v1 =	vld [tilespmem:s22+$0xFFFFFE40];
	_ =	sdelay $0x1  }
0x81: {  	v2 =	vld [tilespmem:s22+$0xFFFFFEC0];
	_ =	sdelay $0x1  }
0x82: {  	v3 =	vld [tilespmem:s22+$0xFFFFFF40]  }
0x83: {  	v0 =	vadd.f32 v1, v0  }
0x84: {  	v1 =	vld [tilespmem:s22+$0xFFFFFFC0]  }
0x85: {  	v0 =	vadd.f32 v2, v0  }
0x86: {  	v2 =	vld [tilespmem:s22+$0x40]  }
0x87: {  	v0 =	vadd.f32 v3, v0  }
0x88: {  	v3 =	vld [tilespmem:s22+$0xC0]  }
0x89: {  	v0 =	vadd.f32 v1, v0  }
0x8a: {  	v1 =	vld [tilespmem:s22+$0x140]  }
0x8b: {  	v0 =	vadd.f32 v2, v0  }
0x8c: {  	v2 =	vld [tilespmem:s22+$0x1C0]  }
0x8d: {  	v0 =	vadd.f32 v3, v0  }
0x8e: {  	v3 =	vld [tilespmem:s22+$0x240]  }
0x8f: {  	v0 =	vadd.f32 v1, v0;
	_ =	sdelay $0x1  }
0x90: {  	v0 =	vadd.f32 v2, v0;
	_ =	sdelay $0x1  }
0x91: {  	v0 =	vadd.f32 v3, v0;
	_ =	sdelay $0x1  }
0x92: {  	v0 =	vmul.f32 $1.000000010e-01, v0;
	_ =	sdelay $0x1  }
0x93: {  	[tilespmem:s23+$0x142C0] =	vst v0  }
0x94: {  	v0 =	vld [tilespmem:s22+$0xFFFFFDD0]  }
0x95: {  	v1 =	vld [tilespmem:s22+$0xFFFFFE50];
	_ =	sdelay $0x1  }
0x96: {  	v2 =	vld [tilespmem:s22+$0xFFFFFED0];
	_ =	sdelay $0x1  }
0x97: {  	v3 =	vld [tilespmem:s22+$0xFFFFFF50]  }
0x98: {  	v0 =	vadd.f32 v1, v0  }
0x99: {  	v1 =	vld [tilespmem:s22+$0xFFFFFFD0]  }
0x9a: {  	v0 =	vadd.f32 v2, v0  }
0x9b: {  	v2 =	vld [tilespmem:s22+$0x50]  }
0x9c: {  	v0 =	vadd.f32 v3, v0  }
0x9d: {  	v3 =	vld [tilespmem:s22+$0xD0]  }
0x9e: {  	v0 =	vadd.f32 v1, v0  }
0x9f: {  	v1 =	vld [tilespmem:s22+$0x150]  }
0xa0: {  	v0 =	vadd.f32 v2, v0  }
0xa1: {  	v2 =	vld [tilespmem:s22+$0x1D0]  }
0xa2: {  	v0 =	vadd.f32 v3, v0  }
0xa3: {  	v3 =	vld [tilespmem:s22+$0x250]  }
0xa4: {  	v0 =	vadd.f32 v1, v0;
	_ =	sdelay $0x1  }
0xa5: {  	v0 =	vadd.f32 v2, v0;
	_ =	sdelay $0x1  }
0xa6: {  	v0 =	vadd.f32 v3, v0;
	_ =	sdelay $0x1  }
0xa7: {  	v0 =	vmul.f32 $1.000000010e-01, v0;
	_ =	sdelay $0x1  }
0xa8: {  	[tilespmem:s23+$0x142D0] =	vst v0  }
0xa9: {  	v0 =	vld [tilespmem:s22+$0xFFFFFDE0]  }
0xaa: {  	v1 =	vld [tilespmem:s22+$0xFFFFFE60];
	_ =	sdelay $0x1  }
0xab: {  	v2 =	vld [tilespmem:s22+$0xFFFFFEE0];
	_ =	sdelay $0x1  }
0xac: {  	v3 =	vld [tilespmem:s22+$0xFFFFFF60]  }
0xad: {  	v0 =	vadd.f32 v1, v0  }
0xae: {  	v1 =	vld [tilespmem:s22+$0xFFFFFFE0]  }
0xaf: {  	v0 =	vadd.f32 v2, v0  }
0xb0: {  	v2 =	vld [tilespmem:s22+$0x60]  }
0xb1: {  	v0 =	vadd.f32 v3, v0  }
0xb2: {  	v3 =	vld [tilespmem:s22+$0xE0]  }
0xb3: {  	v0 =	vadd.f32 v1, v0  }
0xb4: {  	v1 =	vld [tilespmem:s22+$0x160]  }
0xb5: {  	v0 =	vadd.f32 v2, v0  }
0xb6: {  	v2 =	vld [tilespmem:s22+$0x1E0]  }
0xb7: {  	v0 =	vadd.f32 v3, v0  }
0xb8: {  	v3 =	vld [tilespmem:s22+$0x260]  }
0xb9: {  	v0 =	vadd.f32 v1, v0;
	_ =	sdelay $0x1  }
0xba: {  	v0 =	vadd.f32 v2, v0;
	_ =	sdelay $0x1  }
0xbb: {  	v0 =	vadd.f32 v3, v0;
	_ =	sdelay $0x1  }
0xbc: {  	v0 =	vmul.f32 $1.000000010e-01, v0;
	_ =	sdelay $0x1  }
0xbd: {  	[tilespmem:s23+$0x142E0] =	vst v0  }
0xbe: {  	v0 =	vld [tilespmem:s22+$0xFFFFFDF0]  }
0xbf: {  	v1 =	vld [tilespmem:s22+$0xFFFFFE70];
	_ =	sdelay $0x1  }
0xc0: {  	v2 =	vld [tilespmem:s22+$0xFFFFFEF0];
	_ =	sdelay $0x1  }
0xc1: {  	v3 =	vld [tilespmem:s22+$0xFFFFFF70]  }
0xc2: {  	v0 =	vadd.f32 v1, v0  }
0xc3: {  	v1 =	vld [tilespmem:s22+$0xFFFFFFF0]  }
0xc4: {  	v0 =	vadd.f32 v2, v0  }
0xc5: {  	v4 =	vld [tilespmem:s22+$0x70]  }
0xc6: {  	v0 =	vadd.f32 v3, v0  }
0xc7: {  	v3 =	vld [tilespmem:s22+$0xF0]  }
0xc8: {  	v0 =	vadd.f32 v1, v0  }
0xc9: {  	v2 =	vld [tilespmem:s22+$0x170]  }
0xca: {  	v4 =	vadd.f32 v4, v0  }
0xcb: {  	v0 =	vld [tilespmem:s22+$0x1F0]  }
0xcc: {  	s24 =	simm.s32 $0x200;
	v1 =	vld [tilespmem:s22+$0x270];
	v3 =	vadd.f32 v3, v4  }
.LBB2_2:
0xcd: {  	p0 =	sne.s32 s24, $0x7E00  }
0xce: {  	s22 =	sadd.s32 $0x500, s22;
	s25 =	smov.u32 s24;
	s24 =	sadd.s32 $0x200, s24;
	v2 =	vadd.f32 v2, v3  }
0xcf: {  	_ = 	snop  }
0xd0: {  	v0 =	vadd.f32 v0, v2;
	_ =	sdelay $0x1  }
0xd1: {  	v0 =	vadd.f32 v1, v0;
	_ =	sdelay $0x1  }
0xd2: {  	v0 =	vmul.f32 $1.000000010e-01, v0;
	_ =	sdelay $0x1  }
0xd3: {  	[tilespmem:s23+$0x142F0] =	vst v0  }
0xd4: {  	v0 =	vld [tilespmem:s22+$0xFFFFFE00]  }
0xd5: {  	v1 =	vld [tilespmem:s22+$0xFFFFFD80]  }
0xd6: {  	v2 =	vld [tilespmem:s22+$0xFFFFFE80];
	_ =	sdelay $0x2  }
0xd7: {  	v3 =	vld [tilespmem:s22+$0xFFFFFF00]  }
0xd8: {  	v0 =	vadd.f32 v0, v1  }
0xd9: {  	v1 =	vld [tilespmem:s22+$0xFFFFFF80]  }
0xda: {  	v0 =	vadd.f32 v2, v0  }
0xdb: {  	v2 =	vld [tilespmem:s22+$0x0]  }
0xdc: {  	v0 =	vadd.f32 v3, v0  }
0xdd: {  	v3 =	vld [tilespmem:s22+$0x80]  }
0xde: {  	v0 =	vadd.f32 v1, v0  }
0xdf: {  	v1 =	vld [tilespmem:s22+$0x100]  }
0xe0: {  	v0 =	vadd.f32 v2, v0  }
0xe1: {  	v2 =	vld [tilespmem:s22+$0x180]  }
0xe2: {  	v0 =	vadd.f32 v3, v0  }
0xe3: {  	v3 =	vld [tilespmem:s22+$0x200]  }
0xe4: {  	v0 =	vadd.f32 v1, v0;
	_ =	sdelay $0x1  }
0xe5: {  	v0 =	vadd.f32 v2, v0;
	_ =	sdelay $0x1  }
0xe6: {  	v0 =	vadd.f32 v3, v0;
	_ =	sdelay $0x1  }
0xe7: {  	v0 =	vmul.f32 $1.000000010e-01, v0  }
0xe8: {  	s23 =	sshra.s32 s25, $0x2  }
0xe9: {  	[tilespmem:s23+$0x14280] =	vst v0  }
0xea: {  	v0 =	vld [tilespmem:s22+$0xFFFFFD90]  }
0xeb: {  	v1 =	vld [tilespmem:s22+$0xFFFFFE10];
	_ =	sdelay $0x1  }
0xec: {  	v2 =	vld [tilespmem:s22+$0xFFFFFE90];
	_ =	sdelay $0x1  }
0xed: {  	v3 =	vld [tilespmem:s22+$0xFFFFFF10]  }
0xee: {  	v0 =	vadd.f32 v1, v0  }
0xef: {  	v1 =	vld [tilespmem:s22+$0xFFFFFF90]  }
0xf0: {  	v0 =	vadd.f32 v2, v0  }
0xf1: {  	v2 =	vld [tilespmem:s22+$0x10]  }
0xf2: {  	v0 =	vadd.f32 v3, v0  }
0xf3: {  	v3 =	vld [tilespmem:s22+$0x90]  }
0xf4: {  	v0 =	vadd.f32 v1, v0  }
0xf5: {  	v1 =	vld [tilespmem:s22+$0x110]  }
0xf6: {  	v0 =	vadd.f32 v2, v0  }
0xf7: {  	v2 =	vld [tilespmem:s22+$0x190]  }
0xf8: {  	v0 =	vadd.f32 v3, v0  }
0xf9: {  	v3 =	vld [tilespmem:s22+$0x210]  }
0xfa: {  	v0 =	vadd.f32 v1, v0;
	_ =	sdelay $0x1  }
0xfb: {  	v0 =	vadd.f32 v2, v0;
	_ =	sdelay $0x1  }
0xfc: {  	v0 =	vadd.f32 v3, v0;
	_ =	sdelay $0x1  }
0xfd: {  	v0 =	vmul.f32 $1.000000010e-01, v0;
	_ =	sdelay $0x1  }
0xfe: {  	[tilespmem:s23+$0x14290] =	vst v0  }
0xff: {  	v0 =	vld [tilespmem:s22+$0xFFFFFDA0]  }
0x100: {  	v1 =	vld [tilespmem:s22+$0xFFFFFE20];
	_ =	sdelay $0x1  }
0x101: {  	v2 =	vld [tilespmem:s22+$0xFFFFFEA0];
	_ =	sdelay $0x1  }
0x102: {  	v3 =	vld [tilespmem:s22+$0xFFFFFF20]  }
0x103: {  	v0 =	vadd.f32 v1, v0  }
0x104: {  	v1 =	vld [tilespmem:s22+$0xFFFFFFA0]  }
0x105: {  	v0 =	vadd.f32 v2, v0  }
0x106: {  	v2 =	vld [tilespmem:s22+$0x20]  }
0x107: {  	v0 =	vadd.f32 v3, v0  }
0x108: {  	v3 =	vld [tilespmem:s22+$0xA0]  }
0x109: {  	v0 =	vadd.f32 v1, v0  }
0x10a: {  	v1 =	vld [tilespmem:s22+$0x120]  }
0x10b: {  	v0 =	vadd.f32 v2, v0  }
0x10c: {  	v2 =	vld [tilespmem:s22+$0x1A0]  }
0x10d: {  	v0 =	vadd.f32 v3, v0  }
0x10e: {  	v3 =	vld [tilespmem:s22+$0x220]  }
0x10f: {  	v0 =	vadd.f32 v1, v0;
	_ =	sdelay $0x1  }
0x110: {  	v0 =	vadd.f32 v2, v0;
	_ =	sdelay $0x1  }
0x111: {  	v0 =	vadd.f32 v3, v0;
	_ =	sdelay $0x1  }
0x112: {  	v0 =	vmul.f32 $1.000000010e-01, v0;
	_ =	sdelay $0x1  }
0x113: {  	[tilespmem:s23+$0x142A0] =	vst v0  }
0x114: {  	v0 =	vld [tilespmem:s22+$0xFFFFFDB0]  }
0x115: {  	v1 =	vld [tilespmem:s22+$0xFFFFFE30];
	_ =	sdelay $0x1  }
0x116: {  	v2 =	vld [tilespmem:s22+$0xFFFFFEB0];
	_ =	sdelay $0x1  }
0x117: {  	v3 =	vld [tilespmem:s22+$0xFFFFFF30]  }
0x118: {  	v0 =	vadd.f32 v1, v0  }
0x119: {  	v1 =	vld [tilespmem:s22+$0xFFFFFFB0]  }
0x11a: {  	v0 =	vadd.f32 v2, v0  }
0x11b: {  	v2 =	vld [tilespmem:s22+$0x30]  }
0x11c: {  	v0 =	vadd.f32 v3, v0  }
0x11d: {  	v3 =	vld [tilespmem:s22+$0xB0]  }
0x11e: {  	v0 =	vadd.f32 v1, v0  }
0x11f: {  	v1 =	vld [tilespmem:s22+$0x130]  }
0x120: {  	v0 =	vadd.f32 v2, v0  }
0x121: {  	v2 =	vld [tilespmem:s22+$0x1B0]  }
0x122: {  	v0 =	vadd.f32 v3, v0  }
0x123: {  	v3 =	vld [tilespmem:s22+$0x230]  }
0x124: {  	v0 =	vadd.f32 v1, v0;
	_ =	sdelay $0x1  }
0x125: {  	v0 =	vadd.f32 v2, v0;
	_ =	sdelay $0x1  }
0x126: {  	v0 =	vadd.f32 v3, v0;
	_ =	sdelay $0x1  }
0x127: {  	v0 =	vmul.f32 $1.000000010e-01, v0;
	_ =	sdelay $0x1  }
0x128: {  	[tilespmem:s23+$0x142B0] =	vst v0  }
0x129: {  	v0 =	vld [tilespmem:s22+$0xFFFFFDC0]  }
0x12a: {  	v1 =	vld [tilespmem:s22+$0xFFFFFE40];
	_ =	sdelay $0x1  }
0x12b: {  	v2 =	vld [tilespmem:s22+$0xFFFFFEC0];
	_ =	sdelay $0x1  }
0x12c: {  	v3 =	vld [tilespmem:s22+$0xFFFFFF40]  }
0x12d: {  	v0 =	vadd.f32 v1, v0  }
0x12e: {  	v1 =	vld [tilespmem:s22+$0xFFFFFFC0]  }
0x12f: {  	v0 =	vadd.f32 v2, v0  }
0x130: {  	v2 =	vld [tilespmem:s22+$0x40]  }
0x131: {  	v0 =	vadd.f32 v3, v0  }
0x132: {  	v3 =	vld [tilespmem:s22+$0xC0]  }
0x133: {  	v0 =	vadd.f32 v1, v0  }
0x134: {  	v1 =	vld [tilespmem:s22+$0x140]  }
0x135: {  	v0 =	vadd.f32 v2, v0  }
0x136: {  	v2 =	vld [tilespmem:s22+$0x1C0]  }
0x137: {  	v0 =	vadd.f32 v3, v0  }
0x138: {  	v3 =	vld [tilespmem:s22+$0x240]  }
0x139: {  	v0 =	vadd.f32 v1, v0;
	_ =	sdelay $0x1  }
0x13a: {  	v0 =	vadd.f32 v2, v0;
	_ =	sdelay $0x1  }
0x13b: {  	v0 =	vadd.f32 v3, v0;
	_ =	sdelay $0x1  }
0x13c: {  	v0 =	vmul.f32 $1.000000010e-01, v0;
	_ =	sdelay $0x1  }
0x13d: {  	[tilespmem:s23+$0x142C0] =	vst v0  }
0x13e: {  	v0 =	vld [tilespmem:s22+$0xFFFFFDD0]  }
0x13f: {  	v1 =	vld [tilespmem:s22+$0xFFFFFE50]  }
0x140: {  	v2 =	vld [tilespmem:s22+$0xFFFFFED0]  }
0x141: {  	v3 =	vld [tilespmem:s22+$0xFFFFFF50]  }
0x142: {  	v4 =	vld [tilespmem:s22+$0xFFFFFFD0]  }
0x143: {  	v5 =	vld [tilespmem:s22+$0x50]  }
0x144: {  	v0 =	vadd.f32 v1, v0;
	v1 =	vld [tilespmem:s22+$0xD0]  }
0x145: {  	v6 =	vld [tilespmem:s22+$0x150]  }
0x146: {  	v0 =	vadd.f32 v2, v0;
	v2 =	vld [tilespmem:s22+$0x1D0]  }
0x147: {  	v7 =	vld [tilespmem:s22+$0x250]  }
0x148: {  	v0 =	vadd.f32 v3, v0;
	_ =	sdelay $0x1  }
0x149: {  	v0 =	vadd.f32 v4, v0;
	_ =	sdelay $0x1  }
0x14a: {  	v0 =	vadd.f32 v5, v0;
	_ =	sdelay $0x1  }
0x14b: {  	v0 =	vadd.f32 v1, v0;
	_ =	sdelay $0x1  }
0x14c: {  	v0 =	vadd.f32 v6, v0;
	_ =	sdelay $0x1  }
0x14d: {  	v0 =	vadd.f32 v2, v0;
	_ =	sdelay $0x1  }
0x14e: {  	v0 =	vadd.f32 v7, v0;
	_ =	sdelay $0x1  }
0x14f: {  	v0 =	vmul.f32 $1.000000010e-01, v0;
	_ =	sdelay $0x1  }
0x150: {  	[tilespmem:s23+$0x142D0] =	vst v0  }
0x151: {  	v0 =	vld [tilespmem:s22+$0xFFFFFDE0]  }
0x152: {  	v1 =	vld [tilespmem:s22+$0xFFFFFE60]  }
0x153: {  	v2 =	vld [tilespmem:s22+$0xFFFFFEE0]  }
0x154: {  	v3 =	vld [tilespmem:s22+$0xFFFFFF60]  }
0x155: {  	v4 =	vld [tilespmem:s22+$0xFFFFFFE0]  }
0x156: {  	v5 =	vld [tilespmem:s22+$0x60]  }
0x157: {  	v0 =	vadd.f32 v1, v0;
	v1 =	vld [tilespmem:s22+$0xE0]  }
0x158: {  	v6 =	vld [tilespmem:s22+$0x160]  }
0x159: {  	v0 =	vadd.f32 v2, v0;
	v2 =	vld [tilespmem:s22+$0x1E0]  }
0x15a: {  	v7 =	vld [tilespmem:s22+$0x260]  }
0x15b: {  	v0 =	vadd.f32 v3, v0;
	_ =	sdelay $0x1  }
0x15c: {  	v0 =	vadd.f32 v4, v0;
	_ =	sdelay $0x1  }
0x15d: {  	v0 =	vadd.f32 v5, v0;
	_ =	sdelay $0x1  }
0x15e: {  	v0 =	vadd.f32 v1, v0;
	_ =	sdelay $0x1  }
0x15f: {  	v0 =	vadd.f32 v6, v0;
	_ =	sdelay $0x1  }
0x160: {  	v0 =	vadd.f32 v2, v0;
	_ =	sdelay $0x1  }
0x161: {  	v0 =	vadd.f32 v7, v0;
	_ =	sdelay $0x1  }
0x162: {  	v0 =	vmul.f32 $1.000000010e-01, v0;
	_ =	sdelay $0x1  }
0x163: {  	[tilespmem:s23+$0x142E0] =	vst v0  }
0x164: {  	v0 =	vld [tilespmem:s22+$0xFFFFFDF0]  }
0x165: {  	v1 =	vld [tilespmem:s22+$0xFFFFFE70]  }
0x166: {  	v3 =	vld [tilespmem:s22+$0xFFFFFEF0]  }
0x167: {  	v4 =	vld [tilespmem:s22+$0xFFFFFF70]  }
0x168: {  	v5 =	vld [tilespmem:s22+$0xFFFFFFF0]  }
0x169: {  	v6 =	vld [tilespmem:s22+$0x70]  }
0x16a: {  	v0 =	vadd.f32 v1, v0;
	v7 =	vld [tilespmem:s22+$0xF0]  }
0x16b: {  	v2 =	vld [tilespmem:s22+$0x170]  }
0x16c: {  	v3 =	vadd.f32 v3, v0;
	v0 =	vld [tilespmem:s22+$0x1F0]  }
0x16d: {  	v1 =	vld [tilespmem:s22+$0x270]  }
0x16e: {  	v3 =	vadd.f32 v4, v3;
	_ =	sdelay $0x1  }
.Ltmp0:
0x16f: {  	v3 =	vadd.f32 v5, v3;
	(pc) =	sbr.rel @p0 .LBB2_2-.Ltmp0, $3  }
0x170: {  	_ = 	snop  }
0x171: {  	v3 =	vadd.f32 v6, v3;
	_ =	sdelay $0x1  }
0x172: {  	v3 =	vadd.f32 v7, v3  }
0x173: {  	_ = 	snop  }
0x174: {  	v2 =	vadd.f32 v2, v3;
	_ =	sdelay $0x1  }
0x175: {  	v0 =	vadd.f32 v0, v2;
	_ =	sdelay $0x1  }
0x176: {  	v0 =	vadd.f32 v1, v0;
	_ =	sdelay $0x1  }
0x177: {  	v0 =	vmul.f32 $1.000000010e-01, v0;
	_ =	sdelay $0x1  }
0x178: {  	s22 =	simm.s32 $0x0;
	[tilespmem:s23+$0x142F0] =	vst v0  }
0x179: {  	[hbm4b:s5+s22] =	stream.linear.scatter [tilespmem:s20], [sflag:$0x2], $0x2000, $0x38;
	[tilespmem:$0x16280] =	vst v63  }
0x17a: {  	_ =	swait.ge [sflag:s9], $0x2000  }
0x17b: {  	[sflag:s9] =	ssyncset.done $0x0  }
0x17c: {  	[sflag:s9] =	ssyncadd.s32 $0xFFFFE000  }
0x17d: {  	[tilespmem:s22], [sflag:$0x2] =	stream.linear.gather [hbm4b:s6+s22], $0x280, $0x38;
	[tilespmem:$0x16280] =	vst v63  }
0x17e: {  	_ =	swait.ge [sflag:s9], $0x280  }
0x17f: {  	[sflag:s9] =	ssyncset.done $0x0  }
0x180: {  	[sflag:s9] =	ssyncadd.s32 $0xFFFFFD80  }
0x181: {  	[tilespmem:s11], [sflag:$0x1] =	stream.indirect.gather [hbm4b:s2+s10], $0x80, s22, s10, $0xb8;
	[tilespmem:$0x16280] =	vst v63  }
0x182: {  	_ = 	snop  }
0x183: {  	[tilespmem:s12], [sflag:$0x1] =	stream.indirect.gather [hbm4b:s2+s10], $0x80, s10, s10, $0xb8;
	[tilespmem:$0x16280] =	vst v63  }
0x184: {  	_ = 	snop  }
0x185: {  	[tilespmem:s14], [sflag:$0x1] =	stream.indirect.gather [hbm4b:s2+s10], $0x80, s13, s10, $0xb8;
	[tilespmem:$0x16280] =	vst v63  }
0x186: {  	_ = 	snop  }
0x187: {  	[tilespmem:s16], [sflag:$0x1] =	stream.indirect.gather [hbm4b:s2+s10], $0x80, s15, s10, $0xb8;
	[tilespmem:$0x16280] =	vst v63  }
0x188: {  	_ = 	snop  }
0x189: {  	[tilespmem:s18], [sflag:$0x1] =	stream.indirect.gather [hbm4b:s2+s10], $0x80, s17, s10, $0xb8;
	[tilespmem:$0x16280] =	vst v63  }
0x18a: {  	_ =	swait.ge [sflag:s19], $0x4000  }
0x18b: {  	[sflag:s19] =	ssyncset.done $0x0  }
0x18c: {  	[sflag:s19] =	ssyncadd.s32 $0xFFFFC000  }
0x18d: {  	_ =	swait.ge [sflag:s19], $0x4000  }
0x18e: {  	[sflag:s19] =	ssyncset.done $0x0  }
0x18f: {  	[sflag:s19] =	ssyncadd.s32 $0xFFFFC000  }
0x190: {  	_ =	swait.ge [sflag:s19], $0x4000  }
0x191: {  	[sflag:s19] =	ssyncset.done $0x0  }
0x192: {  	[sflag:s19] =	ssyncadd.s32 $0xFFFFC000  }
0x193: {  	_ =	swait.ge [sflag:s19], $0x4000  }
0x194: {  	[sflag:s19] =	ssyncset.done $0x0  }
0x195: {  	[sflag:s19] =	ssyncadd.s32 $0xFFFFC000  }
0x196: {  	_ =	swait.ge [sflag:s19], $0x4000  }
0x197: {  	[sflag:s19] =	ssyncset.done $0x0  }
0x198: {  	s22 =	simm.s32 $0x500;
	[sflag:s19] =	ssyncadd.s32 $0xFFFFC000  }
0x199: {  	v0 =	vld [tilespmem:s22+$0xFFFFFE00]  }
0x19a: {  	v1 =	vld [tilespmem:s22+$0xFFFFFD80];
	_ =	sdelay $0x1  }
0x19b: {  	v2 =	vld [tilespmem:s22+$0xFFFFFE80];
	_ =	sdelay $0x1  }
0x19c: {  	v3 =	vld [tilespmem:s22+$0xFFFFFF00]  }
0x19d: {  	v0 =	vadd.f32 v0, v1  }
0x19e: {  	v1 =	vld [tilespmem:s22+$0xFFFFFF80]  }
0x19f: {  	v0 =	vadd.f32 v2, v0  }
0x1a0: {  	v2 =	vld [tilespmem:s22+$0x0]  }
0x1a1: {  	v0 =	vadd.f32 v3, v0  }
0x1a2: {  	v3 =	vld [tilespmem:s22+$0x80]  }
0x1a3: {  	v0 =	vadd.f32 v1, v0  }
0x1a4: {  	v1 =	vld [tilespmem:s22+$0x100]  }
0x1a5: {  	v0 =	vadd.f32 v2, v0  }
0x1a6: {  	v2 =	vld [tilespmem:s22+$0x180]  }
0x1a7: {  	v0 =	vadd.f32 v3, v0  }
0x1a8: {  	v3 =	vld [tilespmem:s22+$0x200]  }
0x1a9: {  	v0 =	vadd.f32 v1, v0;
	_ =	sdelay $0x1  }
0x1aa: {  	v0 =	vadd.f32 v2, v0;
	_ =	sdelay $0x1  }
0x1ab: {  	v0 =	vadd.f32 v3, v0;
	_ =	sdelay $0x1  }
0x1ac: {  	v0 =	vmul.f32 $1.000000010e-01, v0  }
0x1ad: {  	s23 =	simm.s32 $0x0  }
0x1ae: {  	[tilespmem:s23+$0x14280] =	vst v0  }
0x1af: {  	v0 =	vld [tilespmem:s22+$0xFFFFFD90]  }
0x1b0: {  	v1 =	vld [tilespmem:s22+$0xFFFFFE10];
	_ =	sdelay $0x1  }
0x1b1: {  	v2 =	vld [tilespmem:s22+$0xFFFFFE90];
	_ =	sdelay $0x1  }
0x1b2: {  	v3 =	vld [tilespmem:s22+$0xFFFFFF10]  }
0x1b3: {  	v0 =	vadd.f32 v1, v0  }
0x1b4: {  	v1 =	vld [tilespmem:s22+$0xFFFFFF90]  }
0x1b5: {  	v0 =	vadd.f32 v2, v0  }
0x1b6: {  	v2 =	vld [tilespmem:s22+$0x10]  }
0x1b7: {  	v0 =	vadd.f32 v3, v0  }
0x1b8: {  	v3 =	vld [tilespmem:s22+$0x90]  }
0x1b9: {  	v0 =	vadd.f32 v1, v0  }
0x1ba: {  	v1 =	vld [tilespmem:s22+$0x110]  }
0x1bb: {  	v0 =	vadd.f32 v2, v0  }
0x1bc: {  	v2 =	vld [tilespmem:s22+$0x190]  }
0x1bd: {  	v0 =	vadd.f32 v3, v0  }
0x1be: {  	v3 =	vld [tilespmem:s22+$0x210]  }
0x1bf: {  	v0 =	vadd.f32 v1, v0;
	_ =	sdelay $0x1  }
0x1c0: {  	v0 =	vadd.f32 v2, v0;
	_ =	sdelay $0x1  }
0x1c1: {  	v0 =	vadd.f32 v3, v0;
	_ =	sdelay $0x1  }
0x1c2: {  	v0 =	vmul.f32 $1.000000010e-01, v0;
	_ =	sdelay $0x1  }
0x1c3: {  	[tilespmem:s23+$0x14290] =	vst v0  }
0x1c4: {  	v0 =	vld [tilespmem:s22+$0xFFFFFDA0]  }
0x1c5: {  	v1 =	vld [tilespmem:s22+$0xFFFFFE20];
	_ =	sdelay $0x1  }
0x1c6: {  	v2 =	vld [tilespmem:s22+$0xFFFFFEA0];
	_ =	sdelay $0x1  }
0x1c7: {  	v3 =	vld [tilespmem:s22+$0xFFFFFF20]  }
0x1c8: {  	v0 =	vadd.f32 v1, v0  }
0x1c9: {  	v1 =	vld [tilespmem:s22+$0xFFFFFFA0]  }
0x1ca: {  	v0 =	vadd.f32 v2, v0  }
0x1cb: {  	v2 =	vld [tilespmem:s22+$0x20]  }
0x1cc: {  	v0 =	vadd.f32 v3, v0  }
0x1cd: {  	v3 =	vld [tilespmem:s22+$0xA0]  }
0x1ce: {  	v0 =	vadd.f32 v1, v0  }
0x1cf: {  	v1 =	vld [tilespmem:s22+$0x120]  }
0x1d0: {  	v0 =	vadd.f32 v2, v0  }
0x1d1: {  	v2 =	vld [tilespmem:s22+$0x1A0]  }
0x1d2: {  	v0 =	vadd.f32 v3, v0  }
0x1d3: {  	v3 =	vld [tilespmem:s22+$0x220]  }
0x1d4: {  	v0 =	vadd.f32 v1, v0;
	_ =	sdelay $0x1  }
0x1d5: {  	v0 =	vadd.f32 v2, v0;
	_ =	sdelay $0x1  }
0x1d6: {  	v0 =	vadd.f32 v3, v0;
	_ =	sdelay $0x1  }
0x1d7: {  	v0 =	vmul.f32 $1.000000010e-01, v0;
	_ =	sdelay $0x1  }
0x1d8: {  	[tilespmem:s23+$0x142A0] =	vst v0  }
0x1d9: {  	v0 =	vld [tilespmem:s22+$0xFFFFFDB0]  }
0x1da: {  	v1 =	vld [tilespmem:s22+$0xFFFFFE30];
	_ =	sdelay $0x1  }
0x1db: {  	v2 =	vld [tilespmem:s22+$0xFFFFFEB0];
	_ =	sdelay $0x1  }
0x1dc: {  	v3 =	vld [tilespmem:s22+$0xFFFFFF30]  }
0x1dd: {  	v0 =	vadd.f32 v1, v0  }
0x1de: {  	v1 =	vld [tilespmem:s22+$0xFFFFFFB0]  }
0x1df: {  	v0 =	vadd.f32 v2, v0  }
0x1e0: {  	v2 =	vld [tilespmem:s22+$0x30]  }
0x1e1: {  	v0 =	vadd.f32 v3, v0  }
0x1e2: {  	v3 =	vld [tilespmem:s22+$0xB0]  }
0x1e3: {  	v0 =	vadd.f32 v1, v0  }
0x1e4: {  	v1 =	vld [tilespmem:s22+$0x130]  }
0x1e5: {  	v0 =	vadd.f32 v2, v0  }
0x1e6: {  	v2 =	vld [tilespmem:s22+$0x1B0]  }
0x1e7: {  	v0 =	vadd.f32 v3, v0  }
0x1e8: {  	v3 =	vld [tilespmem:s22+$0x230]  }
0x1e9: {  	v0 =	vadd.f32 v1, v0;
	_ =	sdelay $0x1  }
0x1ea: {  	v0 =	vadd.f32 v2, v0;
	_ =	sdelay $0x1  }
0x1eb: {  	v0 =	vadd.f32 v3, v0;
	_ =	sdelay $0x1  }
0x1ec: {  	v0 =	vmul.f32 $1.000000010e-01, v0;
	_ =	sdelay $0x1  }
0x1ed: {  	[tilespmem:s23+$0x142B0] =	vst v0  }
0x1ee: {  	v0 =	vld [tilespmem:s22+$0xFFFFFDC0]  }
0x1ef: {  	v1 =	vld [tilespmem:s22+$0xFFFFFE40];
	_ =	sdelay $0x1  }
0x1f0: {  	v2 =	vld [tilespmem:s22+$0xFFFFFEC0];
	_ =	sdelay $0x1  }
0x1f1: {  	v3 =	vld [tilespmem:s22+$0xFFFFFF40]  }
0x1f2: {  	v0 =	vadd.f32 v1, v0  }
0x1f3: {  	v1 =	vld [tilespmem:s22+$0xFFFFFFC0]  }
0x1f4: {  	v0 =	vadd.f32 v2, v0  }
0x1f5: {  	v2 =	vld [tilespmem:s22+$0x40]  }
0x1f6: {  	v0 =	vadd.f32 v3, v0  }
0x1f7: {  	v3 =	vld [tilespmem:s22+$0xC0]  }
0x1f8: {  	v0 =	vadd.f32 v1, v0  }
0x1f9: {  	v1 =	vld [tilespmem:s22+$0x140]  }
0x1fa: {  	v0 =	vadd.f32 v2, v0  }
0x1fb: {  	v2 =	vld [tilespmem:s22+$0x1C0]  }
0x1fc: {  	v0 =	vadd.f32 v3, v0  }
0x1fd: {  	v3 =	vld [tilespmem:s22+$0x240]  }
0x1fe: {  	v0 =	vadd.f32 v1, v0;
	_ =	sdelay $0x1  }
0x1ff: {  	v0 =	vadd.f32 v2, v0;
	_ =	sdelay $0x1  }
0x200: {  	v0 =	vadd.f32 v3, v0;
	_ =	sdelay $0x1  }
0x201: {  	v0 =	vmul.f32 $1.000000010e-01, v0;
	_ =	sdelay $0x1  }
0x202: {  	[tilespmem:s23+$0x142C0] =	vst v0  }
0x203: {  	v0 =	vld [tilespmem:s22+$0xFFFFFDD0]  }
0x204: {  	v1 =	vld [tilespmem:s22+$0xFFFFFE50];
	_ =	sdelay $0x1  }
0x205: {  	v2 =	vld [tilespmem:s22+$0xFFFFFED0];
	_ =	sdelay $0x1  }
0x206: {  	v3 =	vld [tilespmem:s22+$0xFFFFFF50]  }
0x207: {  	v0 =	vadd.f32 v1, v0  }
0x208: {  	v1 =	vld [tilespmem:s22+$0xFFFFFFD0]  }
0x209: {  	v0 =	vadd.f32 v2, v0  }
0x20a: {  	v2 =	vld [tilespmem:s22+$0x50]  }
0x20b: {  	v0 =	vadd.f32 v3, v0  }
0x20c: {  	v3 =	vld [tilespmem:s22+$0xD0]  }
0x20d: {  	v0 =	vadd.f32 v1, v0  }
0x20e: {  	v1 =	vld [tilespmem:s22+$0x150]  }
0x20f: {  	v0 =	vadd.f32 v2, v0  }
0x210: {  	v2 =	vld [tilespmem:s22+$0x1D0]  }
0x211: {  	v0 =	vadd.f32 v3, v0  }
0x212: {  	v3 =	vld [tilespmem:s22+$0x250]  }
0x213: {  	v0 =	vadd.f32 v1, v0;
	_ =	sdelay $0x1  }
0x214: {  	v0 =	vadd.f32 v2, v0;
	_ =	sdelay $0x1  }
0x215: {  	v0 =	vadd.f32 v3, v0;
	_ =	sdelay $0x1  }
0x216: {  	v0 =	vmul.f32 $1.000000010e-01, v0;
	_ =	sdelay $0x1  }
0x217: {  	[tilespmem:s23+$0x142D0] =	vst v0  }
0x218: {  	v0 =	vld [tilespmem:s22+$0xFFFFFDE0]  }
0x219: {  	v1 =	vld [tilespmem:s22+$0xFFFFFE60];
	_ =	sdelay $0x1  }
0x21a: {  	v2 =	vld [tilespmem:s22+$0xFFFFFEE0];
	_ =	sdelay $0x1  }
0x21b: {  	v3 =	vld [tilespmem:s22+$0xFFFFFF60]  }
0x21c: {  	v0 =	vadd.f32 v1, v0  }
0x21d: {  	v1 =	vld [tilespmem:s22+$0xFFFFFFE0]  }
0x21e: {  	v0 =	vadd.f32 v2, v0  }
0x21f: {  	v2 =	vld [tilespmem:s22+$0x60]  }
0x220: {  	v0 =	vadd.f32 v3, v0  }
0x221: {  	v3 =	vld [tilespmem:s22+$0xE0]  }
0x222: {  	v0 =	vadd.f32 v1, v0  }
0x223: {  	v1 =	vld [tilespmem:s22+$0x160]  }
0x224: {  	v0 =	vadd.f32 v2, v0  }
0x225: {  	v2 =	vld [tilespmem:s22+$0x1E0]  }
0x226: {  	v0 =	vadd.f32 v3, v0  }
0x227: {  	v3 =	vld [tilespmem:s22+$0x260]  }
0x228: {  	v0 =	vadd.f32 v1, v0;
	_ =	sdelay $0x1  }
0x229: {  	v0 =	vadd.f32 v2, v0;
	_ =	sdelay $0x1  }
0x22a: {  	v0 =	vadd.f32 v3, v0;
	_ =	sdelay $0x1  }
0x22b: {  	v0 =	vmul.f32 $1.000000010e-01, v0;
	_ =	sdelay $0x1  }
0x22c: {  	[tilespmem:s23+$0x142E0] =	vst v0  }
0x22d: {  	v0 =	vld [tilespmem:s22+$0xFFFFFDF0]  }
0x22e: {  	v1 =	vld [tilespmem:s22+$0xFFFFFE70];
	_ =	sdelay $0x1  }
0x22f: {  	v2 =	vld [tilespmem:s22+$0xFFFFFEF0];
	_ =	sdelay $0x1  }
0x230: {  	v3 =	vld [tilespmem:s22+$0xFFFFFF70]  }
0x231: {  	v0 =	vadd.f32 v1, v0  }
0x232: {  	v1 =	vld [tilespmem:s22+$0xFFFFFFF0]  }
0x233: {  	v0 =	vadd.f32 v2, v0  }
0x234: {  	v4 =	vld [tilespmem:s22+$0x70]  }
0x235: {  	v0 =	vadd.f32 v3, v0  }
0x236: {  	v3 =	vld [tilespmem:s22+$0xF0]  }
0x237: {  	v0 =	vadd.f32 v1, v0  }
0x238: {  	v2 =	vld [tilespmem:s22+$0x170]  }
0x239: {  	v4 =	vadd.f32 v4, v0  }
0x23a: {  	v0 =	vld [tilespmem:s22+$0x1F0]  }
0x23b: {  	s24 =	simm.s32 $0x200;
	v1 =	vld [tilespmem:s22+$0x270];
	v3 =	vadd.f32 v3, v4  }
.LBB2_4:
0x23c: {  	p0 =	sne.s32 s24, $0x7E00  }
0x23d: {  	s22 =	sadd.s32 $0x500, s22;
	s25 =	smov.u32 s24;
	s24 =	sadd.s32 $0x200, s24;
	v2 =	vadd.f32 v2, v3  }
0x23e: {  	_ = 	snop  }
0x23f: {  	v0 =	vadd.f32 v0, v2;
	_ =	sdelay $0x1  }
0x240: {  	v0 =	vadd.f32 v1, v0;
	_ =	sdelay $0x1  }
0x241: {  	v0 =	vmul.f32 $1.000000010e-01, v0;
	_ =	sdelay $0x1  }
0x242: {  	[tilespmem:s23+$0x142F0] =	vst v0  }
0x243: {  	v0 =	vld [tilespmem:s22+$0xFFFFFE00]  }
0x244: {  	v1 =	vld [tilespmem:s22+$0xFFFFFD80]  }
0x245: {  	v2 =	vld [tilespmem:s22+$0xFFFFFE80];
	_ =	sdelay $0x2  }
0x246: {  	v3 =	vld [tilespmem:s22+$0xFFFFFF00]  }
0x247: {  	v0 =	vadd.f32 v0, v1  }
0x248: {  	v1 =	vld [tilespmem:s22+$0xFFFFFF80]  }
0x249: {  	v0 =	vadd.f32 v2, v0  }
0x24a: {  	v2 =	vld [tilespmem:s22+$0x0]  }
0x24b: {  	v0 =	vadd.f32 v3, v0  }
0x24c: {  	v3 =	vld [tilespmem:s22+$0x80]  }
0x24d: {  	v0 =	vadd.f32 v1, v0  }
0x24e: {  	v1 =	vld [tilespmem:s22+$0x100]  }
0x24f: {  	v0 =	vadd.f32 v2, v0  }
0x250: {  	v2 =	vld [tilespmem:s22+$0x180]  }
0x251: {  	v0 =	vadd.f32 v3, v0  }
0x252: {  	v3 =	vld [tilespmem:s22+$0x200]  }
0x253: {  	v0 =	vadd.f32 v1, v0;
	_ =	sdelay $0x1  }
0x254: {  	v0 =	vadd.f32 v2, v0;
	_ =	sdelay $0x1  }
0x255: {  	v0 =	vadd.f32 v3, v0;
	_ =	sdelay $0x1  }
0x256: {  	v0 =	vmul.f32 $1.000000010e-01, v0  }
0x257: {  	s23 =	sshra.s32 s25, $0x2  }
0x258: {  	[tilespmem:s23+$0x14280] =	vst v0  }
0x259: {  	v0 =	vld [tilespmem:s22+$0xFFFFFD90]  }
0x25a: {  	v1 =	vld [tilespmem:s22+$0xFFFFFE10];
	_ =	sdelay $0x1  }
0x25b: {  	v2 =	vld [tilespmem:s22+$0xFFFFFE90];
	_ =	sdelay $0x1  }
0x25c: {  	v3 =	vld [tilespmem:s22+$0xFFFFFF10]  }
0x25d: {  	v0 =	vadd.f32 v1, v0  }
0x25e: {  	v1 =	vld [tilespmem:s22+$0xFFFFFF90]  }
0x25f: {  	v0 =	vadd.f32 v2, v0  }
0x260: {  	v2 =	vld [tilespmem:s22+$0x10]  }
0x261: {  	v0 =	vadd.f32 v3, v0  }
0x262: {  	v3 =	vld [tilespmem:s22+$0x90]  }
0x263: {  	v0 =	vadd.f32 v1, v0  }
0x264: {  	v1 =	vld [tilespmem:s22+$0x110]  }
0x265: {  	v0 =	vadd.f32 v2, v0  }
0x266: {  	v2 =	vld [tilespmem:s22+$0x190]  }
0x267: {  	v0 =	vadd.f32 v3, v0  }
0x268: {  	v3 =	vld [tilespmem:s22+$0x210]  }
0x269: {  	v0 =	vadd.f32 v1, v0;
	_ =	sdelay $0x1  }
0x26a: {  	v0 =	vadd.f32 v2, v0;
	_ =	sdelay $0x1  }
0x26b: {  	v0 =	vadd.f32 v3, v0;
	_ =	sdelay $0x1  }
0x26c: {  	v0 =	vmul.f32 $1.000000010e-01, v0;
	_ =	sdelay $0x1  }
0x26d: {  	[tilespmem:s23+$0x14290] =	vst v0  }
0x26e: {  	v0 =	vld [tilespmem:s22+$0xFFFFFDA0]  }
0x26f: {  	v1 =	vld [tilespmem:s22+$0xFFFFFE20];
	_ =	sdelay $0x1  }
0x270: {  	v2 =	vld [tilespmem:s22+$0xFFFFFEA0];
	_ =	sdelay $0x1  }
0x271: {  	v3 =	vld [tilespmem:s22+$0xFFFFFF20]  }
0x272: {  	v0 =	vadd.f32 v1, v0  }
0x273: {  	v1 =	vld [tilespmem:s22+$0xFFFFFFA0]  }
0x274: {  	v0 =	vadd.f32 v2, v0  }
0x275: {  	v2 =	vld [tilespmem:s22+$0x20]  }
0x276: {  	v0 =	vadd.f32 v3, v0  }
0x277: {  	v3 =	vld [tilespmem:s22+$0xA0]  }
0x278: {  	v0 =	vadd.f32 v1, v0  }
0x279: {  	v1 =	vld [tilespmem:s22+$0x120]  }
0x27a: {  	v0 =	vadd.f32 v2, v0  }
0x27b: {  	v2 =	vld [tilespmem:s22+$0x1A0]  }
0x27c: {  	v0 =	vadd.f32 v3, v0  }
0x27d: {  	v3 =	vld [tilespmem:s22+$0x220]  }
0x27e: {  	v0 =	vadd.f32 v1, v0;
	_ =	sdelay $0x1  }
0x27f: {  	v0 =	vadd.f32 v2, v0;
	_ =	sdelay $0x1  }
0x280: {  	v0 =	vadd.f32 v3, v0;
	_ =	sdelay $0x1  }
0x281: {  	v0 =	vmul.f32 $1.000000010e-01, v0;
	_ =	sdelay $0x1  }
0x282: {  	[tilespmem:s23+$0x142A0] =	vst v0  }
0x283: {  	v0 =	vld [tilespmem:s22+$0xFFFFFDB0]  }
0x284: {  	v1 =	vld [tilespmem:s22+$0xFFFFFE30];
	_ =	sdelay $0x1  }
0x285: {  	v2 =	vld [tilespmem:s22+$0xFFFFFEB0];
	_ =	sdelay $0x1  }
0x286: {  	v3 =	vld [tilespmem:s22+$0xFFFFFF30]  }
0x287: {  	v0 =	vadd.f32 v1, v0  }
0x288: {  	v1 =	vld [tilespmem:s22+$0xFFFFFFB0]  }
0x289: {  	v0 =	vadd.f32 v2, v0  }
0x28a: {  	v2 =	vld [tilespmem:s22+$0x30]  }
0x28b: {  	v0 =	vadd.f32 v3, v0  }
0x28c: {  	v3 =	vld [tilespmem:s22+$0xB0]  }
0x28d: {  	v0 =	vadd.f32 v1, v0  }
0x28e: {  	v1 =	vld [tilespmem:s22+$0x130]  }
0x28f: {  	v0 =	vadd.f32 v2, v0  }
0x290: {  	v2 =	vld [tilespmem:s22+$0x1B0]  }
0x291: {  	v0 =	vadd.f32 v3, v0  }
0x292: {  	v3 =	vld [tilespmem:s22+$0x230]  }
0x293: {  	v0 =	vadd.f32 v1, v0;
	_ =	sdelay $0x1  }
0x294: {  	v0 =	vadd.f32 v2, v0;
	_ =	sdelay $0x1  }
0x295: {  	v0 =	vadd.f32 v3, v0;
	_ =	sdelay $0x1  }
0x296: {  	v0 =	vmul.f32 $1.000000010e-01, v0;
	_ =	sdelay $0x1  }
0x297: {  	[tilespmem:s23+$0x142B0] =	vst v0  }
0x298: {  	v0 =	vld [tilespmem:s22+$0xFFFFFDC0]  }
0x299: {  	v1 =	vld [tilespmem:s22+$0xFFFFFE40];
	_ =	sdelay $0x1  }
0x29a: {  	v2 =	vld [tilespmem:s22+$0xFFFFFEC0];
	_ =	sdelay $0x1  }
0x29b: {  	v3 =	vld [tilespmem:s22+$0xFFFFFF40]  }
0x29c: {  	v0 =	vadd.f32 v1, v0  }
0x29d: {  	v1 =	vld [tilespmem:s22+$0xFFFFFFC0]  }
0x29e: {  	v0 =	vadd.f32 v2, v0  }
0x29f: {  	v2 =	vld [tilespmem:s22+$0x40]  }
0x2a0: {  	v0 =	vadd.f32 v3, v0  }
0x2a1: {  	v3 =	vld [tilespmem:s22+$0xC0]  }
0x2a2: {  	v0 =	vadd.f32 v1, v0  }
0x2a3: {  	v1 =	vld [tilespmem:s22+$0x140]  }
0x2a4: {  	v0 =	vadd.f32 v2, v0  }
0x2a5: {  	v2 =	vld [tilespmem:s22+$0x1C0]  }
0x2a6: {  	v0 =	vadd.f32 v3, v0  }
0x2a7: {  	v3 =	vld [tilespmem:s22+$0x240]  }
0x2a8: {  	v0 =	vadd.f32 v1, v0;
	_ =	sdelay $0x1  }
0x2a9: {  	v0 =	vadd.f32 v2, v0;
	_ =	sdelay $0x1  }
0x2aa: {  	v0 =	vadd.f32 v3, v0;
	_ =	sdelay $0x1  }
0x2ab: {  	v0 =	vmul.f32 $1.000000010e-01, v0;
	_ =	sdelay $0x1  }
0x2ac: {  	[tilespmem:s23+$0x142C0] =	vst v0  }
0x2ad: {  	v0 =	vld [tilespmem:s22+$0xFFFFFDD0]  }
0x2ae: {  	v1 =	vld [tilespmem:s22+$0xFFFFFE50]  }
0x2af: {  	v2 =	vld [tilespmem:s22+$0xFFFFFED0]  }
0x2b0: {  	v3 =	vld [tilespmem:s22+$0xFFFFFF50]  }
0x2b1: {  	v4 =	vld [tilespmem:s22+$0xFFFFFFD0]  }
0x2b2: {  	v5 =	vld [tilespmem:s22+$0x50]  }
0x2b3: {  	v0 =	vadd.f32 v1, v0;
	v1 =	vld [tilespmem:s22+$0xD0]  }
0x2b4: {  	v6 =	vld [tilespmem:s22+$0x150]  }
0x2b5: {  	v0 =	vadd.f32 v2, v0;
	v2 =	vld [tilespmem:s22+$0x1D0]  }
0x2b6: {  	v7 =	vld [tilespmem:s22+$0x250]  }
0x2b7: {  	v0 =	vadd.f32 v3, v0;
	_ =	sdelay $0x1  }
0x2b8: {  	v0 =	vadd.f32 v4, v0;
	_ =	sdelay $0x1  }
0x2b9: {  	v0 =	vadd.f32 v5, v0;
	_ =	sdelay $0x1  }
0x2ba: {  	v0 =	vadd.f32 v1, v0;
	_ =	sdelay $0x1  }
0x2bb: {  	v0 =	vadd.f32 v6, v0;
	_ =	sdelay $0x1  }
0x2bc: {  	v0 =	vadd.f32 v2, v0;
	_ =	sdelay $0x1  }
0x2bd: {  	v0 =	vadd.f32 v7, v0;
	_ =	sdelay $0x1  }
0x2be: {  	v0 =	vmul.f32 $1.000000010e-01, v0;
	_ =	sdelay $0x1  }
0x2bf: {  	[tilespmem:s23+$0x142D0] =	vst v0  }
0x2c0: {  	v0 =	vld [tilespmem:s22+$0xFFFFFDE0]  }
0x2c1: {  	v1 =	vld [tilespmem:s22+$0xFFFFFE60]  }
0x2c2: {  	v2 =	vld [tilespmem:s22+$0xFFFFFEE0]  }
0x2c3: {  	v3 =	vld [tilespmem:s22+$0xFFFFFF60]  }
0x2c4: {  	v4 =	vld [tilespmem:s22+$0xFFFFFFE0]  }
0x2c5: {  	v5 =	vld [tilespmem:s22+$0x60]  }
0x2c6: {  	v0 =	vadd.f32 v1, v0;
	v1 =	vld [tilespmem:s22+$0xE0]  }
0x2c7: {  	v6 =	vld [tilespmem:s22+$0x160]  }
0x2c8: {  	v0 =	vadd.f32 v2, v0;
	v2 =	vld [tilespmem:s22+$0x1E0]  }
0x2c9: {  	v7 =	vld [tilespmem:s22+$0x260]  }
0x2ca: {  	v0 =	vadd.f32 v3, v0;
	_ =	sdelay $0x1  }
0x2cb: {  	v0 =	vadd.f32 v4, v0;
	_ =	sdelay $0x1  }
0x2cc: {  	v0 =	vadd.f32 v5, v0;
	_ =	sdelay $0x1  }
0x2cd: {  	v0 =	vadd.f32 v1, v0;
	_ =	sdelay $0x1  }
0x2ce: {  	v0 =	vadd.f32 v6, v0;
	_ =	sdelay $0x1  }
0x2cf: {  	v0 =	vadd.f32 v2, v0;
	_ =	sdelay $0x1  }
0x2d0: {  	v0 =	vadd.f32 v7, v0;
	_ =	sdelay $0x1  }
0x2d1: {  	v0 =	vmul.f32 $1.000000010e-01, v0;
	_ =	sdelay $0x1  }
0x2d2: {  	[tilespmem:s23+$0x142E0] =	vst v0  }
0x2d3: {  	v0 =	vld [tilespmem:s22+$0xFFFFFDF0]  }
0x2d4: {  	v1 =	vld [tilespmem:s22+$0xFFFFFE70]  }
0x2d5: {  	v3 =	vld [tilespmem:s22+$0xFFFFFEF0]  }
0x2d6: {  	v4 =	vld [tilespmem:s22+$0xFFFFFF70]  }
0x2d7: {  	v5 =	vld [tilespmem:s22+$0xFFFFFFF0]  }
0x2d8: {  	v6 =	vld [tilespmem:s22+$0x70]  }
0x2d9: {  	v0 =	vadd.f32 v1, v0;
	v7 =	vld [tilespmem:s22+$0xF0]  }
0x2da: {  	v2 =	vld [tilespmem:s22+$0x170]  }
0x2db: {  	v3 =	vadd.f32 v3, v0;
	v0 =	vld [tilespmem:s22+$0x1F0]  }
0x2dc: {  	v1 =	vld [tilespmem:s22+$0x270]  }
0x2dd: {  	v3 =	vadd.f32 v4, v3;
	_ =	sdelay $0x1  }
.Ltmp1:
0x2de: {  	v3 =	vadd.f32 v5, v3;
	(pc) =	sbr.rel @p0 .LBB2_4-.Ltmp1, $3  }
0x2df: {  	_ = 	snop  }
0x2e0: {  	v3 =	vadd.f32 v6, v3;
	_ =	sdelay $0x1  }
0x2e1: {  	v3 =	vadd.f32 v7, v3  }
0x2e2: {  	_ = 	snop  }
0x2e3: {  	v2 =	vadd.f32 v2, v3;
	_ =	sdelay $0x1  }
0x2e4: {  	v0 =	vadd.f32 v0, v2;
	_ =	sdelay $0x1  }
0x2e5: {  	v0 =	vadd.f32 v1, v0;
	_ =	sdelay $0x1  }
0x2e6: {  	s21 =	sadd.s32 $0x1, s21;
	v0 =	vmul.f32 $1.000000010e-01, v0  }
0x2e7: {  	p0 =	sne.s32 s21, s8  }
.Ltmp2:
0x2e8: {  	[tilespmem:s23+$0x142F0] =	vst v0;
	(pc) =	sbr.rel @p0 .LBB2_1-.Ltmp2, $4  }
0x2e9: {  	[hbm4b:s7+s3] =	stream.linear.scatter [tilespmem:s20], [sflag:$0x2], $0x2000, $0x38;
	[tilespmem:$0x16280] =	vst v63  }
0x2ea: {  	_ =	swait.ge [sflag:s9], $0x2000  }
0x2eb: {  	[sflag:s9] =	ssyncset.done $0x0  }
0x2ec: {  	[sflag:s9] =	ssyncadd.s32 $0xFFFFE000  }
0x2ed: {  	_ =	sfence.sel $0x180000  }
0x2ee: {  	[bflag:$0x0] =	sbarrier.arrive $0xFFFF  }
0x2ef: {  	p0 =	sne.s32 s0, $0x0;
	_ =	strace $0x90000047  }
0x2f0: {  	s0 =	sadd.s32 @!p0 $0x100000, s1;
	[bflag:$0x2] =	sbarrier.arrive $0xFFFF  }
0x2f1: {  	[sflag:s0] =	ssyncadd.tile.s32 @!p0 $0x1;
	_ =	shalt  }
.Lfunc_end2:
_tile_overlayer_lowered:
.L_overlay_start_2:
0x2f2: {  	(tag) =	ssettag $0x2  }
0x2f3: {  	s0 =	rddreg [dreg:$0x0];
	s2 =	stileid.u32  }
0x2f4: {  	s1 =	rddreg [dreg:$0x1];
	p0 =	sne.s32 s2, $0x0  }
0x2f5: {  	s3 =	rddreg [dreg:$0x2];
	[bflag:$0x3] =	sbarrier.arrive $0xFFFF;
	s2 =	simm.s32 @!p0 $0x1C02  }
0x2f6: {  	[timem:s3], [sflag:s2] =	dma.local @!p0 [hbm:s0], s1  }
0x2f7: {  	s0 =	simm.s32 @!p0 $0x2  }
0x2f8: {  	_ =	swait.ge @!p0 [sflag:s0], s1  }
0x2f9: {  	s1 =	ssub.s32 @!p0 $0x0, s1;
	[sflag:s0] =	ssyncset.done @!p0 $0x0  }
0x2fa: {  	[sflag:s0] =	ssyncadd.s32 @!p0 s1  }
0x2fb: {  	[bflag:$0x3] =	sbarrier.arrive $0xFFFF  }
0x2fc: {  	_ =	shalt  }

</sc_bundles>
